<compile_context>
chip_gen: v7x
topology: tpu7x:2x2x1
jax: 0.10.2.dev20260603
libtpu: 0.0.44.dev20260713+nightly
codegen_flags: <defaults>
</compile_context>

<pallas_src>
import functools

import jax
import jax.numpy as jnp
from jax import lax
from jax.experimental import pallas as pl
from jax.experimental.pallas import tpu as pltpu
from jax.experimental.pallas import tpu_sc as plsc

DIM = 384
HEADS = 8
HEAD_DIM = DIM // HEADS
NWIN = 7
P2 = NWIN * NWIN
TOPK = 4
KVWIN = 4
W2 = KVWIN * KVWIN
HW = 32
WPIX = HW * HW
IMG = NWIN * HW
SCALE = DIM ** -0.5


def _qkv_body(x_ref, g_ref, b_ref, w_ref, wb_ref, pool_ref,
              q_ref, v_ref, kvp_ref, win_ref):
    xb = x_ref[...].reshape(WPIX, DIM)
    mu = jnp.mean(xb, axis=-1, keepdims=True)
    xc = xb - mu
    var = jnp.mean(xc * xc, axis=-1, keepdims=True)
    xn = xc * jax.lax.rsqrt(var + 1e-6) * g_ref[0] + b_ref[0]
    qkv = jnp.dot(xn, w_ref[...], preferred_element_type=jnp.float32) + wb_ref[0]
    q = qkv[:, :DIM]
    k = qkv[:, DIM:2 * DIM]
    v = qkv[:, 2 * DIM:]
    q_ref[0] = q.astype(jnp.bfloat16)
    v_ref[...] = v.astype(jnp.bfloat16).reshape(HW, HW, DIM)
    pool = pool_ref[...]
    kp = jnp.dot(pool, k, preferred_element_type=jnp.float32)
    vp = jnp.dot(pool, v, preferred_element_type=jnp.float32)
    kvp_ref[0] = jnp.concatenate([kp, vp], axis=1)
    qm = jnp.mean(q, axis=0, keepdims=True)
    km = jnp.mean(k, axis=0, keepdims=True)
    win_ref[0] = jnp.concatenate(
        [qm, km, jnp.zeros((6, DIM), jnp.float32)], axis=0)


def _run_qkv(x_hwc, ln1_g, ln1_b, qkv_w, qkv_b, pool_mat):
    return pl.pallas_call(
        _qkv_body,
        grid=(P2,),
        in_specs=[
            pl.BlockSpec((HW, HW, DIM), lambda p: (p // NWIN, p % NWIN, 0)),
            pl.BlockSpec((1, DIM), lambda p: (0, 0)),
            pl.BlockSpec((1, DIM), lambda p: (0, 0)),
            pl.BlockSpec((DIM, 3 * DIM), lambda p: (0, 0)),
            pl.BlockSpec((1, 3 * DIM), lambda p: (0, 0)),
            pl.BlockSpec((W2, WPIX), lambda p: (0, 0)),
        ],
        out_specs=[
            pl.BlockSpec((1, WPIX, DIM), lambda p: (p, 0, 0)),
            pl.BlockSpec((HW, HW, DIM), lambda p: (p // NWIN, p % NWIN, 0)),
            pl.BlockSpec((1, W2, 2 * DIM), lambda p: (p, 0, 0)),
            pl.BlockSpec((1, 8, DIM), lambda p: (p, 0, 0)),
        ],
        out_shape=[
            jax.ShapeDtypeStruct((P2, WPIX, DIM), jnp.bfloat16),
            jax.ShapeDtypeStruct((IMG, IMG, DIM), jnp.bfloat16),
            jax.ShapeDtypeStruct((P2, W2, 2 * DIM), jnp.float32),
            jax.ShapeDtypeStruct((P2, 8, DIM), jnp.float32),
        ],
    )(x_hwc, ln1_g.reshape(1, DIM), ln1_b.reshape(1, DIM),
      qkv_w, qkv_b.reshape(1, 3 * DIM), pool_mat)


def _route_body(win_ref, idx_ref):
    wm = win_ref[...]
    q_win = wm[:, 0, :] * SCALE
    k_win = wm[:, 1, :]
    logit = jax.lax.dot_general(
        q_win, k_win, (((1,), (1,)), ((), ())),
        preferred_element_type=jnp.float32)
    col = jax.lax.broadcasted_iota(jnp.int32, (P2, P2), 1)
    picks = []
    l = logit
    for _ in range(TOPK):
        m = jnp.max(l, axis=1, keepdims=True)
        a = jnp.min(jnp.where(l == m, col, P2), axis=1)
        picks.append(a[:, None])
        l = jnp.where(col == a[:, None], -jnp.inf, l)
    picks.append(jnp.zeros((P2, 8 - TOPK), jnp.int32))
    idx_ref[...] = jnp.concatenate(picks, axis=1)


def _run_route(win_means):
    return pl.pallas_call(
        _route_body,
        grid=(1,),
        in_specs=[pl.BlockSpec((P2, 8, DIM), lambda i: (0, 0, 0))],
        out_specs=pl.BlockSpec((P2, 8), lambda i: (0, 0)),
        out_shape=jax.ShapeDtypeStruct((P2, 8), jnp.int32),
    )(win_means)


GD = W2 * 2 * DIM
GB = 256


def _run_sc_gather(table, idx_flat):
    info = plsc.get_sparse_core_info()
    nw = info.num_cores * info.num_subcores
    bpw = GB // nw
    mesh = plsc.VectorSubcoreMesh(core_axis_name="c", subcore_axis_name="s")

    @functools.partial(
        pl.kernel, mesh=mesh,
        out_type=jax.ShapeDtypeStruct((GB, GD), jnp.float32),
        scratch_types=[
            pltpu.VMEM((bpw,), jnp.int32),
            pltpu.VMEM((bpw, GD), jnp.float32),
            pltpu.SemaphoreType.DMA,
        ],
    )
    def k(table_hbm, idx_hbm, out_hbm, idx_v, rows_v, sem):
        wid = lax.axis_index("s") * info.num_cores + lax.axis_index("c")
        base = wid * bpw
        pltpu.sync_copy(idx_hbm.at[pl.ds(base, bpw)], idx_v)
        pltpu.async_copy(table_hbm.at[idx_v], rows_v, sem).wait()
        pltpu.sync_copy(rows_v, out_hbm.at[pl.ds(base, bpw)])

    return k(table, idx_flat)


KVTOT = TOPK * W2


def _attn_body(q_ref, kvg_ref, seg_ref, bcast_ref, out_ref):
    q = q_ref[0]
    kv = kvg_ref[...].reshape(TOPK * W2, 2 * DIM)
    k_selT = (kv[:, :DIM] * SCALE).astype(jnp.bfloat16).T
    v_sel = kv[:, DIM:].astype(jnp.bfloat16)
    krows = []
    vrows = []
    for h in range(HEADS):
        kparts = []
        if h:
            kparts.append(jnp.zeros((HEAD_DIM, KVTOT * h), jnp.bfloat16))
        kparts.append(k_selT[h * HEAD_DIM:(h + 1) * HEAD_DIM, :])
        if h < HEADS - 1:
            kparts.append(
                jnp.zeros((HEAD_DIM, KVTOT * (HEADS - 1 - h)), jnp.bfloat16))
        krows.append(jnp.concatenate(kparts, axis=1))
        vparts = []
        if h:
            vparts.append(jnp.zeros((KVTOT, HEAD_DIM * h), jnp.bfloat16))
        vparts.append(v_sel[:, h * HEAD_DIM:(h + 1) * HEAD_DIM])
        if h < HEADS - 1:
            vparts.append(
                jnp.zeros((KVTOT, HEAD_DIM * (HEADS - 1 - h)), jnp.bfloat16))
        vrows.append(jnp.concatenate(vparts, axis=1))
    k_bd = jnp.concatenate(krows, axis=0)
    v_bd = jnp.concatenate(vrows, axis=0)
    s = jnp.dot(q, k_bd, preferred_element_type=jnp.float32)
    e = jnp.exp(s).astype(jnp.bfloat16)
    out_un = jnp.dot(e, v_bd, preferred_element_type=jnp.float32)
    sums = jnp.dot(e, seg_ref[...], preferred_element_type=jnp.float32)
    r = (1.0 / sums).astype(jnp.bfloat16)
    d = jnp.dot(r, bcast_ref[...], preferred_element_type=jnp.float32)
    out_ref[...] = (out_un * d).astype(jnp.bfloat16).reshape(HW, HW, DIM)


def _run_attn(q, kv_gathered):
    hh = jnp.arange(HEADS)
    seg = (jnp.arange(HEADS * KVTOT)[:, None] // KVTOT == hh[None, :]
           ).astype(jnp.bfloat16)
    bcast = (hh[:, None] == jnp.arange(DIM)[None, :] // HEAD_DIM
             ).astype(jnp.bfloat16)
    return pl.pallas_call(
        _attn_body,
        grid=(P2,),
        in_specs=[
            pl.BlockSpec((1, WPIX, DIM), lambda p: (p, 0, 0)),
            pl.BlockSpec((TOPK, W2, 2 * DIM), lambda p: (p, 0, 0)),
            pl.BlockSpec((HEADS * KVTOT, HEADS), lambda p: (0, 0)),
            pl.BlockSpec((HEADS, DIM), lambda p: (0, 0)),
        ],
        out_specs=pl.BlockSpec(
            (HW, HW, DIM), lambda p: (p // NWIN, p % NWIN, 0)),
        out_shape=jax.ShapeDtypeStruct((IMG, IMG, DIM), jnp.bfloat16),
    )(q, kv_gathered, seg, bcast)


ROWS_DE = 8
NSTRIP_DE = IMG // ROWS_DE


def _lepe_body(vc_ref, vu_ref, vd_ref, a_ref, x_ref, lw_ref, lb_ref,
               wo_ref, wob_ref, out_ref, ext_ref):
    r = pl.program_id(0)
    vc = vc_ref[...].astype(jnp.float32)
    top2 = jnp.where(
        r > 0, vu_ref[ROWS_DE - 2:ROWS_DE].astype(jnp.float32), 0.0)
    bot2 = jnp.where(r < NSTRIP_DE - 1, vd_ref[0:2].astype(jnp.float32), 0.0)
    ext_ref[:, 2:2 + IMG, :] = jnp.concatenate([top2, vc, bot2], axis=0)
    ext_ref[:, 0:2, :] = jnp.zeros((ROWS_DE + 4, 2, DIM), jnp.float32)
    ext_ref[:, 2 + IMG:, :] = jnp.zeros((ROWS_DE + 4, 2, DIM), jnp.float32)
    parts = []
    for dx in range(5):
        col = ext_ref[:, dx:dx + IMG, :]
        acc = col[0:ROWS_DE] * lw_ref[dx]
        for dy in range(1, 5):
            acc = acc + col[dy:dy + ROWS_DE] * lw_ref[dy * 5 + dx]
        parts.append(acc)
    lepe = ((parts[0] + parts[1]) + (parts[2] + parts[3])) + (
        parts[4] + lb_ref[0])
    y = (a_ref[...].astype(jnp.float32) + lepe).reshape(ROWS_DE * IMG, DIM)
    z = jnp.dot(y, wo_ref[...], preferred_element_type=jnp.float32) + wob_ref[0]
    out_ref[...] = (x_ref[...].reshape(ROWS_DE * IMG, DIM) + z).astype(
        jnp.bfloat16).reshape(ROWS_DE, IMG, DIM)


def _run_lepe_wo(v_img, attn_img, x_hwc, lepe_w, lepe_b, wo_w, wo_b):
    lw = lepe_w.reshape(25, 1, DIM)[:, 0, :]
    return pl.pallas_call(
        _lepe_body,
        grid=(NSTRIP_DE,),
        in_specs=[
            pl.BlockSpec((ROWS_DE, IMG, DIM), lambda r: (r, 0, 0)),
            pl.BlockSpec((ROWS_DE, IMG, DIM),
                         lambda r: (jnp.maximum(r - 1, 0), 0, 0)),
            pl.BlockSpec((ROWS_DE, IMG, DIM),
                         lambda r: (jnp.minimum(r + 1, NSTRIP_DE - 1), 0, 0)),
            pl.BlockSpec((ROWS_DE, IMG, DIM), lambda r: (r, 0, 0)),
            pl.BlockSpec((ROWS_DE, IMG, DIM), lambda r: (r, 0, 0)),
            pl.BlockSpec((25, DIM), lambda r: (0, 0)),
            pl.BlockSpec((1, DIM), lambda r: (0, 0)),
            pl.BlockSpec((DIM, DIM), lambda r: (0, 0)),
            pl.BlockSpec((1, DIM), lambda r: (0, 0)),
        ],
        out_specs=pl.BlockSpec((ROWS_DE, IMG, DIM), lambda r: (r, 0, 0)),
        out_shape=jax.ShapeDtypeStruct((IMG, IMG, DIM), jnp.bfloat16),
        scratch_shapes=[pltpu.VMEM((ROWS_DE + 4, IMG + 4, DIM), jnp.float32)],
    )(v_img, v_img, v_img, attn_img, x_hwc, lw,
      lepe_b.reshape(1, DIM), wo_w, wo_b.reshape(1, DIM))


ROWS_F = 4
NSTRIP_F = IMG // ROWS_F


def _mlp_body(x_ref, g_ref, b_ref, w1_ref, b1_ref, w2_ref, b2_ref, out_ref):
    x = x_ref[...].astype(jnp.float32).reshape(ROWS_F * IMG, DIM)
    mu = jnp.mean(x, axis=-1, keepdims=True)
    xc = x - mu
    var = jnp.mean(xc * xc, axis=-1, keepdims=True)
    xn = xc * jax.lax.rsqrt(var + 1e-6) * g_ref[0] + b_ref[0]
    h = jnp.dot(xn, w1_ref[...], preferred_element_type=jnp.float32) + b1_ref[0]
    h = 0.5 * h * (1.0 + jax.lax.erf(h * (2.0 ** -0.5)))
    y = jnp.dot(h, w2_ref[...], preferred_element_type=jnp.float32) + b2_ref[0]
    out_ref[...] = (x + y).reshape(ROWS_F, IMG, DIM)


def _run_mlp(x1, ln2_g, ln2_b, fc1_w, fc1_b, fc2_w, fc2_b):
    return pl.pallas_call(
        _mlp_body,
        grid=(NSTRIP_F,),
        in_specs=[
            pl.BlockSpec((ROWS_F, IMG, DIM), lambda r: (r, 0, 0)),
            pl.BlockSpec((1, DIM), lambda r: (0, 0)),
            pl.BlockSpec((1, DIM), lambda r: (0, 0)),
            pl.BlockSpec((DIM, 4 * DIM), lambda r: (0, 0)),
            pl.BlockSpec((1, 4 * DIM), lambda r: (0, 0)),
            pl.BlockSpec((4 * DIM, DIM), lambda r: (0, 0)),
            pl.BlockSpec((1, DIM), lambda r: (0, 0)),
        ],
        out_specs=pl.BlockSpec((ROWS_F, IMG, DIM), lambda r: (r, 0, 0)),
        out_shape=jax.ShapeDtypeStruct((IMG, IMG, DIM), jnp.float32),
    )(x1, ln2_g.reshape(1, DIM), ln2_b.reshape(1, DIM),
      fc1_w, fc1_b.reshape(1, 4 * DIM), fc2_w, fc2_b.reshape(1, DIM))


def _pool_matrix():
    s = jnp.arange(WPIX)
    t = (s // HW // 8) * KVWIN + (s % HW) // 8
    return (t[None, :] == jnp.arange(W2)[:, None]).astype(jnp.float32) / 64.0


def kernel(x, ln1_g, ln1_b, qkv_w, qkv_b, lepe_w, lepe_b, wo_w, wo_b,
           ln2_g, ln2_b, fc1_w, fc1_b, fc2_w, fc2_b):
    x_hwc = jnp.transpose(x[0], (1, 2, 0))
    pool_mat = _pool_matrix()
    q, v_img, kv_pool, win_means = _run_qkv(
        x_hwc, ln1_g, ln1_b, qkv_w, qkv_b, pool_mat)
    idx8 = _run_route(win_means)
    idx_flat = jnp.concatenate(
        [idx8[:, :TOPK].reshape(P2 * TOPK),
         jnp.zeros((GB - P2 * TOPK,), jnp.int32)])
    kv_gathered = _run_sc_gather(
        kv_pool.reshape(P2, GD), idx_flat).reshape(GB, W2, 2 * DIM)
    attn_img = _run_attn(q, kv_gathered)
    x1 = _run_lepe_wo(v_img, attn_img, x_hwc, lepe_w, lepe_b, wo_w, wo_b)
    out = _run_mlp(x1, ln2_g, ln2_b, fc1_w, fc1_b, fc2_w, fc2_b)
    return jnp.transpose(out, (2, 0, 1))[None]

# --- scband reference (transcript-rebuilt; emitter-appended) ---
"""Pipeline reference for scband-bi-former-block-66889820668553 (READ-ONLY COPY).

The authoritative reference and input builder live on the scoring server;
editing this copy changes nothing except your own understanding.
"""

import jax, jax.numpy as jnp
import numpy as np

DIM = 384
HEADS = 8
NWIN = 7
TOPK = 4
KVWIN = 4
B, H, W = 1, 224, 224


def layer_norm(x, g, b):
    mu = x.mean(-1, keepdims=True)
    var = x.var(-1, keepdims=True)
    return (x - mu) / jnp.sqrt(var + 1e-6) * g + b


def dwconv(x, w, b):
    y = jax.lax.conv_general_dilated(x, w, (1, 1), 'SAME',
                                     dimension_numbers=('NHWC', 'HWIO', 'NHWC'),
                                     feature_group_count=DIM)
    return y + b


def bra(x, qkv_w, qkv_b, lepe_w, lepe_b, wo_w, wo_b):
    # Bi-Level Routing Attention (legacy BRA), param_routing=False, diff_routing=False,
    # soft_routing=False -> mul_weight='none', kv_downsample_mode='ada_avgpool'
    N, Hh, Ww, C = x.shape
    hw = Hh // NWIN
    p2 = NWIN * NWIN
    # window partition: n (j h) (i w) c -> n (j i) h w c
    xw = x.reshape(N, NWIN, hw, NWIN, hw, C).transpose(0, 1, 3, 2, 4, 5)
    qkv = xw @ qkv_w + qkv_b
    q = qkv[..., :C]
    kv = qkv[..., C:]
    q_pix = q.reshape(N, p2, hw * hw, C)
    # adaptive avg pool each window hw x hw -> KVWIN x KVWIN (hw divisible by KVWIN)
    kvp = kv.reshape(N, NWIN, NWIN, KVWIN, hw // KVWIN, KVWIN, hw // KVWIN, 2 * C).mean(axis=(4, 6))
    kv_pix = kvp.reshape(N, p2, KVWIN * KVWIN, 2 * C)
    q_win = q.mean(axis=(3, 4)).reshape(N, p2, C)
    k_win = kv[..., :C].mean(axis=(3, 4)).reshape(N, p2, C)
    # LePE on v over the full image
    v = kv[..., C:]
    v_img = v.transpose(0, 1, 3, 2, 4, 5).reshape(N, Hh, Ww, C)
    lepe = dwconv(v_img, lepe_w, lepe_b)
    # routing (detached since diff_routing=False)
    scale = C ** -0.5
    qd = jax.lax.stop_gradient(q_win)
    kd = jax.lax.stop_gradient(k_win)
    logit = (qd * scale) @ jnp.swapaxes(kd, -1, -2)
    topk_logit, topk_idx = jax.lax.top_k(logit, TOPK)
    r_w = jax.nn.softmax(topk_logit, axis=-1)  # computed as in torch; mul_weight='none' -> unused
    # kv gather: (N, p2, topk, w2, 2C)
    topk_kv = kv_pix[jnp.arange(N)[:, None, None], topk_idx]
    k_sel = topk_kv[..., :C]
    v_sel = topk_kv[..., C:]
    c = C // HEADS
    w2 = KVWIN * KVWIN
    # n p2 k w2 (m c) -> (n p2) m c (k w2)
    k_sel = k_sel.reshape(N, p2, TOPK, w2, HEADS, c).transpose(0, 1, 4, 5, 2, 3).reshape(N * p2, HEADS, c, TOPK * w2)
    # n p2 k w2 (m c) -> (n p2) m (k w2) c
    v_sel = v_sel.reshape(N, p2, TOPK, w2, HEADS, c).transpose(0, 1, 4, 2, 3, 5).reshape(N * p2, HEADS, TOPK * w2, c)
    # n p2 w2 (m c) -> (n p2) m w2 c
    qh = q_pix.reshape(N * p2, hw * hw, HEADS, c).transpose(0, 2, 1, 3)
    aw = jax.nn.softmax((qh * scale) @ k_sel, axis=-1)
    out = aw @ v_sel
    # (n j i) m (h w) c -> n (j h) (i w) (m c)
    out = out.reshape(N, NWIN, NWIN, HEADS, hw, hw, c).transpose(0, 1, 4, 2, 5, 3, 6).reshape(N, Hh, Ww, C)
    out = out + lepe
    return out @ wo_w + wo_b


def block(x, ln1_g, ln1_b, qkv_w, qkv_b, lepe_w, lepe_b, wo_w, wo_b, ln2_g, ln2_b, fc1_w, fc1_b, fc2_w, fc2_b):
    x = x.transpose(0, 2, 3, 1)  # NCHW -> NHWC
    x = x + bra(layer_norm(x, ln1_g, ln1_b), qkv_w, qkv_b, lepe_w, lepe_b, wo_w, wo_b)
    h = layer_norm(x, ln2_g, ln2_b)
    h = jax.nn.gelu(h @ fc1_w + fc1_b, approximate=False) @ fc2_w + fc2_b
    x = x + h
    return x.transpose(0, 3, 1, 2)  # NHWC -> NCHW


def setup_inputs(seed: int = 0) -> dict:
    key = jax.random.key(seed)
    ks = jax.random.split(key, 8)
    return {
        'x': jax.random.normal(ks[0], (B, DIM, H, W), jnp.float32),
        'ln1_g': jnp.ones((DIM,), jnp.float32),
        'ln1_b': jnp.zeros((DIM,), jnp.float32),
        'qkv_w': jax.random.normal(ks[1], (DIM, 3 * DIM), jnp.float32) * 0.02,
        'qkv_b': jnp.zeros((3 * DIM,), jnp.float32),
        'lepe_w': jax.random.normal(ks[2], (5, 5, 1, DIM), jnp.float32) * 0.02,
        'lepe_b': jnp.zeros((DIM,), jnp.float32),
        'wo_w': jax.random.normal(ks[3], (DIM, DIM), jnp.float32) * 0.02,
        'wo_b': jnp.zeros((DIM,), jnp.float32),
        'ln2_g': jnp.ones((DIM,), jnp.float32),
        'ln2_b': jnp.zeros((DIM,), jnp.float32),
        'fc1_w': jax.random.normal(ks[4], (DIM, 4 * DIM), jnp.float32) * 0.02,
        'fc1_b': jnp.zeros((4 * DIM,), jnp.float32),
        'fc2_w': jax.random.normal(ks[5], (4 * DIM, DIM), jnp.float32) * 0.02,
        'fc2_b': jnp.zeros((DIM,), jnp.float32),
    }


def reference(x, ln1_g, ln1_b, qkv_w, qkv_b, lepe_w, lepe_b, wo_w, wo_b, ln2_g, ln2_b, fc1_w, fc1_b, fc2_w, fc2_b):
    return block(x, ln1_g, ln1_b, qkv_w, qkv_b, lepe_w, lepe_b, wo_w, wo_b, ln2_g, ln2_b, fc1_w, fc1_b, fc2_w, fc2_b)

if __name__ == "__main__":
    import jax
    _d = setup_inputs()
    print(jax.jit(kernel)(*tuple(_d.values())))

</pallas_src>

<mosaic_0001>
#map = affine_map<(d0, d1) -> (0, 0)>
#map1 = affine_map<(d0, d1) -> (0)>
module attributes {stable_mosaic.version = 14 : i64} {
  func.func @k(%arg0: i32, %arg1: i32, %arg2: memref<49x12288xf32, #tpu.memory_space<hbm>>, %arg3: memref<256xi32, #tpu.memory_space<hbm>>, %arg4: memref<256x12288xf32, #tpu.memory_space<hbm>>, %arg5: memref<8xi32, #tpu.memory_space<vmem>>, %arg6: memref<8x12288xf32, #tpu.memory_space<vmem>>, %arg7: memref<!tpu.dma_semaphore, #tpu.memory_space<semaphore_mem>>) attributes {dimension_semantics = [#tpu.dimension_semantics<core_parallel>, #tpu.dimension_semantics<subcore_parallel>], iteration_bounds = array<i64: 2, 16>, scalar_prefetch = 0 : i64, scratch_operands = 3 : i64, tpu.core_type = #tpu.core_type<sc_vector_subcore>, window_params = [{transform_indices = #map}, {transform_indices = #map1}, {transform_indices = #map}]} {
    %mul3A = arith.constant 2 : i32
    %mul3A_0 = arith.muli %arg1, %mul3A : i32
    %add3A = arith.addi %mul3A_0, %arg0 : i32
    %mul3A_1 = arith.constant 8 : i32
    %mul3A_2 = arith.muli %add3A, %mul3A_1 : i32
    "tpu.region"() ({
      %run_scoped3A = tpu.sem_alloc : memref<!tpu.dma_semaphore, #tpu.memory_space<semaphore_mem>>
      %dma_start3A_7 = tpu.memref_slice %arg3[%mul3A_2] : memref<256xi32, #tpu.memory_space<hbm>> -> memref<8xi32, #tpu.memory_space<hbm>>
      %dma_start3A_8 = tpu.memref_slice %arg3[%mul3A_2] : memref<256xi32, #tpu.memory_space<hbm>> -> memref<8xi32, #tpu.memory_space<hbm>>
      tpu.enqueue_dma source(%dma_start3A_8 : memref<8xi32, #tpu.memory_space<hbm>>) target(%arg5 : memref<8xi32, #tpu.memory_space<vmem>>) target_semaphore(%run_scoped3A : memref<!tpu.dma_semaphore, #tpu.memory_space<semaphore_mem>>)
      %dma_wait3A_9 = tpu.memref_slice %arg3[%mul3A_2] : memref<256xi32, #tpu.memory_space<hbm>> -> memref<8xi32, #tpu.memory_space<hbm>>
      %dma_wait3A_10 = tpu.memref_slice %arg3[%mul3A_2] : memref<256xi32, #tpu.memory_space<hbm>> -> memref<8xi32, #tpu.memory_space<hbm>>
      tpu.wait_dma2 semaphore(%run_scoped3A : memref<!tpu.dma_semaphore, #tpu.memory_space<semaphore_mem>>) src(%dma_wait3A_10 : memref<8xi32, #tpu.memory_space<hbm>>) dst(%arg5 : memref<8xi32, #tpu.memory_space<vmem>>)
      tpu.yield
    }) : () -> ()
    %dma_start3A = arith.constant 0 : i32
    %dma_start3A_3 = arith.constant 0 : i32
    %dma_start3A_4 = tpu.memref_slice %arg2[%dma_start3A, %dma_start3A_3] : memref<49x12288xf32, #tpu.memory_space<hbm>> -> memref<49x12288xf32, #tpu.memory_space<hbm>>
    tpu.enqueue_indirect_dma source(%dma_start3A_4 : memref<49x12288xf32, #tpu.memory_space<hbm>>) target(%arg6 : memref<8x12288xf32, #tpu.memory_space<vmem>>) offsets(%arg5 : memref<8xi32, #tpu.memory_space<vmem>>) semaphore(%arg7 : memref<!tpu.dma_semaphore, #tpu.memory_space<semaphore_mem>>)
    %dma_wait3A = arith.constant 0 : i32
    %dma_wait3A_5 = arith.constant 0 : i32
    %dma_wait3A_6 = tpu.memref_slice %arg2[%dma_wait3A, %dma_wait3A_5] : memref<49x12288xf32, #tpu.memory_space<hbm>> -> memref<49x12288xf32, #tpu.memory_space<hbm>>
    tpu.wait_indirect_dma semaphore(%arg7 : memref<!tpu.dma_semaphore, #tpu.memory_space<semaphore_mem>>) src(%dma_wait3A_6 : memref<49x12288xf32, #tpu.memory_space<hbm>>) dst(%arg6 : memref<8x12288xf32, #tpu.memory_space<vmem>>)
    "tpu.region"() ({
      %run_scoped3A = tpu.sem_alloc : memref<!tpu.dma_semaphore, #tpu.memory_space<semaphore_mem>>
      %dma_start3A_7 = arith.constant 0 : i32
      %dma_start3A_8 = tpu.memref_slice %arg4[%mul3A_2, %dma_start3A_7] : memref<256x12288xf32, #tpu.memory_space<hbm>> -> memref<8x12288xf32, #tpu.memory_space<hbm>>
      %dma_start3A_9 = arith.constant 0 : i32
      %dma_start3A_10 = tpu.memref_slice %arg4[%mul3A_2, %dma_start3A_9] : memref<256x12288xf32, #tpu.memory_space<hbm>> -> memref<8x12288xf32, #tpu.memory_space<hbm>>
      tpu.enqueue_dma source(%arg6 : memref<8x12288xf32, #tpu.memory_space<vmem>>) target(%dma_start3A_10 : memref<8x12288xf32, #tpu.memory_space<hbm>>) target_semaphore(%run_scoped3A : memref<!tpu.dma_semaphore, #tpu.memory_space<semaphore_mem>>)
      %dma_wait3A_11 = arith.constant 0 : i32
      %dma_wait3A_12 = tpu.memref_slice %arg4[%mul3A_2, %dma_wait3A_11] : memref<256x12288xf32, #tpu.memory_space<hbm>> -> memref<8x12288xf32, #tpu.memory_space<hbm>>
      %dma_wait3A_13 = arith.constant 0 : i32
      %dma_wait3A_14 = tpu.memref_slice %arg4[%mul3A_2, %dma_wait3A_13] : memref<256x12288xf32, #tpu.memory_space<hbm>> -> memref<8x12288xf32, #tpu.memory_space<hbm>>
      tpu.wait_dma2 semaphore(%run_scoped3A : memref<!tpu.dma_semaphore, #tpu.memory_space<semaphore_mem>>) src(%arg6 : memref<8x12288xf32, #tpu.memory_space<vmem>>) dst(%dma_wait3A_14 : memref<8x12288xf32, #tpu.memory_space<hbm>>)
      tpu.yield
    }) : () -> ()
    return
  }
}

module attributes {stable_mosaic.version = 14 : i64} {
  func.func @_qkv_body(%arg0: i32, %arg1: memref<32x32x384xf32, #tpu.memory_space<vmem>>, %arg2: memref<1x384xf32, #tpu.memory_space<vmem>>, %arg3: memref<1x384xf32, #tpu.memory_space<vmem>>, %arg4: memref<384x1152xf32, #tpu.memory_space<vmem>>, %arg5: memref<1x1152xf32, #tpu.memory_space<vmem>>, %arg6: memref<16x1024xf32, #tpu.memory_space<vmem>>, %arg7: memref<1x1024x384xbf16, #tpu.memory_space<vmem>>, %arg8: memref<32x32x384xbf16, #tpu.memory_space<vmem>>, %arg9: memref<1x16x768xf32, #tpu.memory_space<vmem>>, %arg10: memref<1x8x384xf32, #tpu.memory_space<vmem>>) attributes {dimension_semantics = [#tpu.dimension_semantics<arbitrary>], iteration_bounds = array<i64: 49>, scalar_prefetch = 0 : i64, scratch_operands = 0 : i64, tpu.core_type = #tpu.core_type<tc>, window_params = [{transform_indices = @transform_0, window_bounds = array<i64: 32, 32, 384>}, {pipeline_mode = #tpu.pipeline_mode<synchronous>, transform_indices = @transform_1, window_bounds = array<i64: 1, 384>}, {pipeline_mode = #tpu.pipeline_mode<synchronous>, transform_indices = @transform_2, window_bounds = array<i64: 1, 384>}, {pipeline_mode = #tpu.pipeline_mode<synchronous>, transform_indices = @transform_3, window_bounds = array<i64: 384, 1152>}, {pipeline_mode = #tpu.pipeline_mode<synchronous>, transform_indices = @transform_4, window_bounds = array<i64: 1, 1152>}, {pipeline_mode = #tpu.pipeline_mode<synchronous>, transform_indices = @transform_5, window_bounds = array<i64: 16, 1024>}, {transform_indices = @transform_6, window_bounds = array<i64: 1, 1024, 384>}, {transform_indices = @transform_7, window_bounds = array<i64: 32, 32, 384>}, {transform_indices = @transform_8, window_bounds = array<i64: 1, 16, 768>}, {transform_indices = @transform_9, window_bounds = array<i64: 1, 8, 384>}]} {
    %get3A = arith.constant 0 : index
    %get3A_0 = arith.constant 0 : index
    %get3A_1 = arith.constant 0 : index
    %get3A_2 = vector.load %arg1[%get3A, %get3A_0, %get3A_1] : memref<32x32x384xf32, #tpu.memory_space<vmem>>, vector<32x32x384xf32>
    %reshape3A = vector.shape_cast %get3A_2 : vector<32x32x384xf32> to vector<1024x384xf32>
    %reduce_sum3A = arith.constant dense<0.000000e+00> : vector<1024xf32>
    %reduce_sum3A_3 = vector.multi_reduction <add>, %reshape3A, %reduce_sum3A [1] : vector<1024x384xf32> to vector<1024xf32>
    %broadcast_in_dim3A = vector.shape_cast %reduce_sum3A_3 : vector<1024xf32> to vector<1024x1xf32>
    %div3A = arith.constant 3.840000e+02 : f32
    %div3A_4 = vector.broadcast %div3A : f32 to vector<1024x1xf32>
    %div3A_5 = arith.divf %broadcast_in_dim3A, %div3A_4 : vector<1024x1xf32>
    %sub3A = vector.broadcast %div3A_5 : vector<1024x1xf32> to vector<1024x384xf32>
    %sub3A_6 = arith.subf %reshape3A, %sub3A : vector<1024x384xf32>
    %mul3A = arith.mulf %sub3A_6, %sub3A_6 : vector<1024x384xf32>
    %reduce_sum3A_7 = arith.constant dense<0.000000e+00> : vector<1024xf32>
    %reduce_sum3A_8 = vector.multi_reduction <add>, %mul3A, %reduce_sum3A_7 [1] : vector<1024x384xf32> to vector<1024xf32>
    %broadcast_in_dim3A_9 = vector.shape_cast %reduce_sum3A_8 : vector<1024xf32> to vector<1024x1xf32>
    %div3A_10 = arith.constant 3.840000e+02 : f32
    %div3A_11 = vector.broadcast %div3A_10 : f32 to vector<1024x1xf32>
    %div3A_12 = arith.divf %broadcast_in_dim3A_9, %div3A_11 : vector<1024x1xf32>
    %add3A = arith.constant 9.99999997E-7 : f32
    %add3A_13 = vector.broadcast %add3A : f32 to vector<1024x1xf32>
    %add3A_14 = arith.addf %div3A_12, %add3A_13 : vector<1024x1xf32>
    %rsqrt3A = math.rsqrt %add3A_14 : vector<1024x1xf32>
    %mul3A_15 = vector.broadcast %rsqrt3A : vector<1024x1xf32> to vector<1024x384xf32>
    %mul3A_16 = arith.mulf %sub3A_6, %mul3A_15 : vector<1024x384xf32>
    %get3A_17 = arith.constant 0 : index
    %get3A_18 = arith.constant 0 : index
    %get3A_19 = vector.load %arg2[%get3A_17, %get3A_18] : memref<1x384xf32, #tpu.memory_space<vmem>>, vector<1x384xf32>
    %get3A_20 = vector.shape_cast %get3A_19 : vector<1x384xf32> to vector<384xf32>
    %broadcast_in_dim3A_21 = vector.shape_cast %get3A_20 : vector<384xf32> to vector<1x384xf32>
    %mul3A_22 = vector.broadcast %broadcast_in_dim3A_21 : vector<1x384xf32> to vector<1024x384xf32>
    %mul3A_23 = arith.mulf %mul3A_16, %mul3A_22 : vector<1024x384xf32>
    %get3A_24 = arith.constant 0 : index
    %get3A_25 = arith.constant 0 : index
    %get3A_26 = vector.load %arg3[%get3A_24, %get3A_25] : memref<1x384xf32, #tpu.memory_space<vmem>>, vector<1x384xf32>
    %get3A_27 = vector.shape_cast %get3A_26 : vector<1x384xf32> to vector<384xf32>
    %broadcast_in_dim3A_28 = vector.shape_cast %get3A_27 : vector<384xf32> to vector<1x384xf32>
    %add3A_29 = vector.broadcast %broadcast_in_dim3A_28 : vector<1x384xf32> to vector<1024x384xf32>
    %add3A_30 = arith.addf %mul3A_23, %add3A_29 : vector<1024x384xf32>
    %get3A_31 = arith.constant 0 : index
    %get3A_32 = arith.constant 0 : index
    %get3A_33 = vector.load %arg4[%get3A_31, %get3A_32] : memref<384x1152xf32, #tpu.memory_space<vmem>>, vector<384x1152xf32>
    %dot_general3A = arith.constant dense<0.000000e+00> : vector<1024x1152xf32>
    %dot_general3A_34 = tpu.matmul %add3A_30, %get3A_33, %dot_general3A {dimension_numbers = #tpu.dot_dimension_numbers<[1], [0], [0], [1], [0, 0, 1, 1], [], []>, transpose_lhs_hint = false} : vector<1024x384xf32>, vector<384x1152xf32>, vector<1024x1152xf32> -> vector<1024x1152xf32>
    %get3A_35 = arith.constant 0 : index
    %get3A_36 = arith.constant 0 : index
    %get3A_37 = vector.load %arg5[%get3A_35, %get3A_36] : memref<1x1152xf32, #tpu.memory_space<vmem>>, vector<1x1152xf32>
    %get3A_38 = vector.shape_cast %get3A_37 : vector<1x1152xf32> to vector<1152xf32>
    %broadcast_in_dim3A_39 = vector.shape_cast %get3A_38 : vector<1152xf32> to vector<1x1152xf32>
    %add3A_40 = vector.broadcast %broadcast_in_dim3A_39 : vector<1x1152xf32> to vector<1024x1152xf32>
    %add3A_41 = arith.addf %dot_general3A_34, %add3A_40 : vector<1024x1152xf32>
    %slice3A = vector.extract_strided_slice %add3A_41 {offsets = [0, 0], sizes = [1024, 384], strides = [1, 1]} : vector<1024x1152xf32> to vector<1024x384xf32>
    %slice3A_42 = vector.extract_strided_slice %add3A_41 {offsets = [0, 384], sizes = [1024, 384], strides = [1, 1]} : vector<1024x1152xf32> to vector<1024x384xf32>
    %slice3A_43 = vector.extract_strided_slice %add3A_41 {offsets = [0, 768], sizes = [1024, 384], strides = [1, 1]} : vector<1024x1152xf32> to vector<1024x384xf32>
    %convert_element_type3A = arith.truncf %slice3A : vector<1024x384xf32> to vector<1024x384xbf16>
    %swap3A = arith.constant 0 : index
    %swap3A_44 = arith.constant 0 : index
    %swap3A_45 = arith.constant 0 : index
    %swap3A_46 = vector.load %arg7[%swap3A, %swap3A_44, %swap3A_45] : memref<1x1024x384xbf16, #tpu.memory_space<vmem>>, vector<1x1024x384xbf16>
    %swap3A_47 = vector.shape_cast %swap3A_46 : vector<1x1024x384xbf16> to vector<1024x384xbf16>
    %swap3A_48 = vector.shape_cast %convert_element_type3A : vector<1024x384xbf16> to vector<1x1024x384xbf16>
    tpu.vector_store %arg7[%swap3A, %swap3A_44, %swap3A_45], %swap3A_48 {strides = array<i32>} : memref<1x1024x384xbf16, #tpu.memory_space<vmem>>, vector<1x1024x384xbf16>,
    %convert_element_type3A_49 = arith.truncf %slice3A_43 : vector<1024x384xf32> to vector<1024x384xbf16>
    %reshape3A_50 = vector.shape_cast %convert_element_type3A_49 : vector<1024x384xbf16> to vector<32x32x384xbf16>
    %swap3A_51 = arith.constant 0 : index
    %swap3A_52 = arith.constant 0 : index
    %swap3A_53 = arith.constant 0 : index
    %swap3A_54 = vector.load %arg8[%swap3A_51, %swap3A_52, %swap3A_53] : memref<32x32x384xbf16, #tpu.memory_space<vmem>>, vector<32x32x384xbf16>
    tpu.vector_store %arg8[%swap3A_51, %swap3A_52, %swap3A_53], %reshape3A_50 {strides = array<i32>} : memref<32x32x384xbf16, #tpu.memory_space<vmem>>, vector<32x32x384xbf16>,
    %get3A_55 = arith.constant 0 : index
    %get3A_56 = arith.constant 0 : index
    %get3A_57 = vector.load %arg6[%get3A_55, %get3A_56] : memref<16x1024xf32, #tpu.memory_space<vmem>>, vector<16x1024xf32>
    %dot_general3A_58 = arith.constant dense<0.000000e+00> : vector<16x384xf32>
    %dot_general3A_59 = tpu.matmul %get3A_57, %slice3A_42, %dot_general3A_58 {dimension_numbers = #tpu.dot_dimension_numbers<[1], [0], [0], [1], [0, 0, 1, 1], [], []>, transpose_lhs_hint = false} : vector<16x1024xf32>, vector<1024x384xf32>, vector<16x384xf32> -> vector<16x384xf32>
    %dot_general3A_60 = arith.constant dense<0.000000e+00> : vector<16x384xf32>
    %dot_general3A_61 = tpu.matmul %get3A_57, %slice3A_43, %dot_general3A_60 {dimension_numbers = #tpu.dot_dimension_numbers<[1], [0], [0], [1], [0, 0, 1, 1], [], []>, transpose_lhs_hint = false} : vector<16x1024xf32>, vector<1024x384xf32>, vector<16x384xf32> -> vector<16x384xf32>
    %concatenate3A = tpu.concatenate %dot_general3A_59, %dot_general3A_61 in 1 : vector<16x384xf32>, vector<16x384xf32> -> vector<16x768xf32>
    %swap3A_62 = arith.constant 0 : index
    %swap3A_63 = arith.constant 0 : index
    %swap3A_64 = arith.constant 0 : index
    %swap3A_65 = vector.load %arg9[%swap3A_62, %swap3A_63, %swap3A_64] : memref<1x16x768xf32, #tpu.memory_space<vmem>>, vector<1x16x768xf32>
    %swap3A_66 = vector.shape_cast %swap3A_65 : vector<1x16x768xf32> to vector<16x768xf32>
    %swap3A_67 = vector.shape_cast %concatenate3A : vector<16x768xf32> to vector<1x16x768xf32>
    tpu.vector_store %arg9[%swap3A_62, %swap3A_63, %swap3A_64], %swap3A_67 {strides = array<i32>} : memref<1x16x768xf32, #tpu.memory_space<vmem>>, vector<1x16x768xf32>,
    %reduce_sum3A_68 = arith.constant dense<0.000000e+00> : vector<384xf32>
    %reduce_sum3A_69 = vector.multi_reduction <add>, %slice3A, %reduce_sum3A_68 [0] : vector<1024x384xf32> to vector<384xf32>
    %broadcast_in_dim3A_70 = vector.shape_cast %reduce_sum3A_69 : vector<384xf32> to vector<1x384xf32>
    %div3A_71 = arith.constant 1.024000e+03 : f32
    %div3A_72 = vector.broadcast %div3A_71 : f32 to vector<1x384xf32>
    %div3A_73 = arith.divf %broadcast_in_dim3A_70, %div3A_72 : vector<1x384xf32>
    %reduce_sum3A_74 = arith.constant dense<0.000000e+00> : vector<384xf32>
    %reduce_sum3A_75 = vector.multi_reduction <add>, %slice3A_42, %reduce_sum3A_74 [0] : vector<1024x384xf32> to vector<384xf32>
    %broadcast_in_dim3A_76 = vector.shape_cast %reduce_sum3A_75 : vector<384xf32> to vector<1x384xf32>
    %div3A_77 = arith.constant 1.024000e+03 : f32
    %div3A_78 = vector.broadcast %div3A_77 : f32 to vector<1x384xf32>
    %div3A_79 = arith.divf %broadcast_in_dim3A_76, %div3A_78 : vector<1x384xf32>
    %broadcast_in_dim3A_80 = arith.constant 0.000000e+00 : f32
    %broadcast_in_dim3A_81 = vector.broadcast %broadcast_in_dim3A_80 : f32 to vector<6x384xf32>
    %concatenate3A_82 = tpu.concatenate %div3A_73, %div3A_79, %broadcast_in_dim3A_81 in 0 : vector<1x384xf32>, vector<1x384xf32>, vector<6x384xf32> -> vector<8x384xf32>
    %swap3A_83 = arith.constant 0 : index
    %swap3A_84 = arith.constant 0 : index
    %swap3A_85 = arith.constant 0 : index
    %swap3A_86 = vector.load %arg10[%swap3A_83, %swap3A_84, %swap3A_85] : memref<1x8x384xf32, #tpu.memory_space<vmem>>, vector<1x8x384xf32>
    %swap3A_87 = vector.shape_cast %swap3A_86 : vector<1x8x384xf32> to vector<8x384xf32>
    %swap3A_88 = vector.shape_cast %concatenate3A_82 : vector<8x384xf32> to vector<1x8x384xf32>
    tpu.vector_store %arg10[%swap3A_83, %swap3A_84, %swap3A_85], %swap3A_88 {strides = array<i32>} : memref<1x8x384xf32, #tpu.memory_space<vmem>>, vector<1x8x384xf32>,
    return
  }
  func.func @transform_0(%arg0: i32) -> (i32, i32, i32) {
    %jit3A = arith.constant 7 : i32
    %div3A = arith.divsi %arg0, %jit3A : i32
    %sign3A = arith.constant 0 : i32
    %sign3A_0 = arith.cmpi sgt, %arg0, %sign3A : i32
    %sign3A_1 = arith.extui %sign3A_0 : i1 to i32
    %sign3A_2 = arith.constant 0 : i32
    %sign3A_3 = arith.cmpi slt, %arg0, %sign3A_2 : i32
    %sign3A_4 = arith.extui %sign3A_3 : i1 to i32
    %sign3A_5 = arith.subi %sign3A_1, %sign3A_4 : i32
    %sign3A_6 = arith.constant 0 : i32
    %sign3A_7 = arith.cmpi sgt, %jit3A, %sign3A_6 : i32
    %sign3A_8 = arith.extui %sign3A_7 : i1 to i32
    %sign3A_9 = arith.constant 0 : i32
    %sign3A_10 = arith.cmpi slt, %jit3A, %sign3A_9 : i32
    %sign3A_11 = arith.extui %sign3A_10 : i1 to i32
    %sign3A_12 = arith.subi %sign3A_8, %sign3A_11 : i32
    %ne3A = arith.cmpi ne, %sign3A_5, %sign3A_12 : i32
    %rem3A = arith.remsi %arg0, %jit3A : i32
    %ne3A_13 = arith.constant 0 : i32
    %ne3A_14 = arith.cmpi ne, %rem3A, %ne3A_13 : i32
    %and3A = arith.andi %ne3A, %ne3A_14 : i1
    %sub3A = arith.constant 1 : i32
    %sub3A_15 = arith.subi %div3A, %sub3A : i32
    %select_n3A = arith.select %and3A, %sub3A_15, %div3A : i32
    %jit3A_16 = arith.constant 7 : i32
    %eq3A = arith.constant 0 : i32
    %eq3A_17 = arith.cmpi eq, %jit3A_16, %eq3A : i32
    %jit3A_18 = arith.constant 1 : i32
    %select_n3A_19 = arith.select %eq3A_17, %jit3A_18, %jit3A_16 : i32
    %rem3A_20 = arith.remsi %arg0, %select_n3A_19 : i32
    %ne3A_21 = arith.constant 0 : i32
    %ne3A_22 = arith.cmpi ne, %rem3A_20, %ne3A_21 : i32
    %lt3A = arith.constant 0 : i32
    %lt3A_23 = arith.cmpi slt, %rem3A_20, %lt3A : i32
    %lt3A_24 = arith.constant 0 : i32
    %lt3A_25 = arith.cmpi slt, %select_n3A_19, %lt3A_24 : i32
    %ne3A_26 = arith.xori %lt3A_23, %lt3A_25 : i1
    %and3A_27 = arith.andi %ne3A_26, %ne3A_22 : i1
    %add3A = arith.addi %rem3A_20, %select_n3A_19 : i32
    %select_n3A_28 = arith.select %and3A_27, %add3A, %rem3A_20 : i32
    %c0_i32 = arith.constant 0 : i32
    %c0_i32_29 = arith.constant 0 : i32
    return %select_n3A, %select_n3A_28, %c0_i32 : i32, i32, i32
  }
  func.func @transform_1(%arg0: i32) -> (i32, i32) {
    %c0_i32 = arith.constant 0 : i32
    %c0_i32_0 = arith.constant 0 : i32
    %c0_i32_1 = arith.constant 0 : i32
    return %c0_i32, %c0_i32_0 : i32, i32
  }
  func.func @transform_2(%arg0: i32) -> (i32, i32) {
    %c0_i32 = arith.constant 0 : i32
    %c0_i32_0 = arith.constant 0 : i32
    %c0_i32_1 = arith.constant 0 : i32
    return %c0_i32, %c0_i32_0 : i32, i32
  }
  func.func @transform_3(%arg0: i32) -> (i32, i32) {
    %c0_i32 = arith.constant 0 : i32
    %c0_i32_0 = arith.constant 0 : i32
    %c0_i32_1 = arith.constant 0 : i32
    return %c0_i32, %c0_i32_0 : i32, i32
  }
  func.func @transform_4(%arg0: i32) -> (i32, i32) {
    %c0_i32 = arith.constant 0 : i32
    %c0_i32_0 = arith.constant 0 : i32
    %c0_i32_1 = arith.constant 0 : i32
    return %c0_i32, %c0_i32_0 : i32, i32
  }
  func.func @transform_5(%arg0: i32) -> (i32, i32) {
    %c0_i32 = arith.constant 0 : i32
    %c0_i32_0 = arith.constant 0 : i32
    %c0_i32_1 = arith.constant 0 : i32
    return %c0_i32, %c0_i32_0 : i32, i32
  }
  func.func @transform_6(%arg0: i32) -> (i32, i32, i32) {
    %c0_i32 = arith.constant 0 : i32
    %c0_i32_0 = arith.constant 0 : i32
    %c0_i32_1 = arith.constant 0 : i32
    return %arg0, %c0_i32, %c0_i32_0 : i32, i32, i32
  }
  func.func @transform_7(%arg0: i32) -> (i32, i32, i32) {
    %jit3A = arith.constant 7 : i32
    %div3A = arith.divsi %arg0, %jit3A : i32
    %sign3A = arith.constant 0 : i32
    %sign3A_0 = arith.cmpi sgt, %arg0, %sign3A : i32
    %sign3A_1 = arith.extui %sign3A_0 : i1 to i32
    %sign3A_2 = arith.constant 0 : i32
    %sign3A_3 = arith.cmpi slt, %arg0, %sign3A_2 : i32
    %sign3A_4 = arith.extui %sign3A_3 : i1 to i32
    %sign3A_5 = arith.subi %sign3A_1, %sign3A_4 : i32
    %sign3A_6 = arith.constant 0 : i32
    %sign3A_7 = arith.cmpi sgt, %jit3A, %sign3A_6 : i32
    %sign3A_8 = arith.extui %sign3A_7 : i1 to i32
    %sign3A_9 = arith.constant 0 : i32
    %sign3A_10 = arith.cmpi slt, %jit3A, %sign3A_9 : i32
    %sign3A_11 = arith.extui %sign3A_10 : i1 to i32
    %sign3A_12 = arith.subi %sign3A_8, %sign3A_11 : i32
    %ne3A = arith.cmpi ne, %sign3A_5, %sign3A_12 : i32
    %rem3A = arith.remsi %arg0, %jit3A : i32
    %ne3A_13 = arith.constant 0 : i32
    %ne3A_14 = arith.cmpi ne, %rem3A, %ne3A_13 : i32
    %and3A = arith.andi %ne3A, %ne3A_14 : i1
    %sub3A = arith.constant 1 : i32
    %sub3A_15 = arith.subi %div3A, %sub3A : i32
    %select_n3A = arith.select %and3A, %sub3A_15, %div3A : i32
    %jit3A_16 = arith.constant 7 : i32
    %eq3A = arith.constant 0 : i32
    %eq3A_17 = arith.cmpi eq, %jit3A_16, %eq3A : i32
    %jit3A_18 = arith.constant 1 : i32
    %select_n3A_19 = arith.select %eq3A_17, %jit3A_18, %jit3A_16 : i32
    %rem3A_20 = arith.remsi %arg0, %select_n3A_19 : i32
    %ne3A_21 = arith.constant 0 : i32
    %ne3A_22 = arith.cmpi ne, %rem3A_20, %ne3A_21 : i32
    %lt3A = arith.constant 0 : i32
    %lt3A_23 = arith.cmpi slt, %rem3A_20, %lt3A : i32
    %lt3A_24 = arith.constant 0 : i32
    %lt3A_25 = arith.cmpi slt, %select_n3A_19, %lt3A_24 : i32
    %ne3A_26 = arith.xori %lt3A_23, %lt3A_25 : i1
    %and3A_27 = arith.andi %ne3A_26, %ne3A_22 : i1
    %add3A = arith.addi %rem3A_20, %select_n3A_19 : i32
    %select_n3A_28 = arith.select %and3A_27, %add3A, %rem3A_20 : i32
    %c0_i32 = arith.constant 0 : i32
    %c0_i32_29 = arith.constant 0 : i32
    return %select_n3A, %select_n3A_28, %c0_i32 : i32, i32, i32
  }
  func.func @transform_8(%arg0: i32) -> (i32, i32, i32) {
    %c0_i32 = arith.constant 0 : i32
    %c0_i32_0 = arith.constant 0 : i32
    %c0_i32_1 = arith.constant 0 : i32
    return %arg0, %c0_i32, %c0_i32_0 : i32, i32, i32
  }
  func.func @transform_9(%arg0: i32) -> (i32, i32, i32) {
    %c0_i32 = arith.constant 0 : i32
    %c0_i32_0 = arith.constant 0 : i32
    %c0_i32_1 = arith.constant 0 : i32
    return %arg0, %c0_i32, %c0_i32_0 : i32, i32, i32
  }
}

module attributes {stable_mosaic.version = 14 : i64} {
  func.func @_route_body(%arg0: i32, %arg1: memref<49x8x384xf32, #tpu.memory_space<vmem>>, %arg2: memref<49x8xi32, #tpu.memory_space<vmem>>) attributes {dimension_semantics = [#tpu.dimension_semantics<arbitrary>], iteration_bounds = array<i64: 1>, scalar_prefetch = 0 : i64, scratch_operands = 0 : i64, tpu.core_type = #tpu.core_type<tc>, window_params = [{pipeline_mode = #tpu.pipeline_mode<synchronous>, transform_indices = @transform_0, window_bounds = array<i64: 49, 8, 384>}, {pipeline_mode = #tpu.pipeline_mode<synchronous>, transform_indices = @transform_1, window_bounds = array<i64: 49, 8>}]} {
    %get3A = arith.constant 0 : index
    %get3A_0 = arith.constant 0 : index
    %get3A_1 = arith.constant 0 : index
    %get3A_2 = vector.load %arg1[%get3A, %get3A_0, %get3A_1] : memref<49x8x384xf32, #tpu.memory_space<vmem>>, vector<49x8x384xf32>
    %slice3A = vector.extract_strided_slice %get3A_2 {offsets = [0, 0, 0], sizes = [49, 1, 384], strides = [1, 1, 1]} : vector<49x8x384xf32> to vector<49x1x384xf32>
    %squeeze3A = vector.shape_cast %slice3A : vector<49x1x384xf32> to vector<49x384xf32>
    %mul3A = arith.constant 0.0510310382 : f32
    %mul3A_3 = vector.broadcast %mul3A : f32 to vector<49x384xf32>
    %mul3A_4 = arith.mulf %squeeze3A, %mul3A_3 : vector<49x384xf32>
    %slice3A_5 = vector.extract_strided_slice %get3A_2 {offsets = [0, 1, 0], sizes = [49, 1, 384], strides = [1, 1, 1]} : vector<49x8x384xf32> to vector<49x1x384xf32>
    %squeeze3A_6 = vector.shape_cast %slice3A_5 : vector<49x1x384xf32> to vector<49x384xf32>
    %dot_general3A = arith.constant dense<0.000000e+00> : vector<49x49xf32>
    %dot_general3A_7 = tpu.matmul %mul3A_4, %squeeze3A_6, %dot_general3A {dimension_numbers = #tpu.dot_dimension_numbers<[1], [1], [0], [0], [0, 0, 1, 0], [], []>, transpose_lhs_hint = false} : vector<49x384xf32>, vector<49x384xf32>, vector<49x49xf32> -> vector<49x49xf32>
    %iota3A = tpu.iota {dimensions = array<i32: 1>} : vector<49x49xi32>
    %reduce_max3A = arith.constant dense<0xFF800000> : vector<49xf32>
    %reduce_max3A_8 = vector.multi_reduction <maximumf>, %dot_general3A_7, %reduce_max3A [1] : vector<49x49xf32> to vector<49xf32>
    %broadcast_in_dim3A = vector.shape_cast %reduce_max3A_8 : vector<49xf32> to vector<49x1xf32>
    %eq3A = vector.broadcast %broadcast_in_dim3A : vector<49x1xf32> to vector<49x49xf32>
    %eq3A_9 = arith.cmpf oeq, %dot_general3A_7, %eq3A : vector<49x49xf32>
    %jit3A = arith.constant 49 : i32
    %broadcast_in_dim3A_10 = vector.broadcast %jit3A : i32 to vector<49x49xi32>
    %select_n3A = arith.select %eq3A_9, %iota3A, %broadcast_in_dim3A_10 : vector<49x49xi1>, vector<49x49xi32>
    %reduce_min3A = arith.constant dense<2147483647> : vector<49xi32>
    %reduce_min3A_11 = vector.multi_reduction <minsi>, %select_n3A, %reduce_min3A [1] : vector<49x49xi32> to vector<49xi32>
    %broadcast_in_dim3A_12 = vector.shape_cast %reduce_min3A_11 : vector<49xi32> to vector<49x1xi32>
    %broadcast_in_dim3A_13 = vector.shape_cast %reduce_min3A_11 : vector<49xi32> to vector<49x1xi32>
    %eq3A_14 = vector.broadcast %broadcast_in_dim3A_13 : vector<49x1xi32> to vector<49x49xi32>
    %eq3A_15 = arith.cmpi eq, %iota3A, %eq3A_14 : vector<49x49xi32>
    %jit3A_16 = arith.constant 0xFF800000 : f32
    %broadcast_in_dim3A_17 = vector.broadcast %jit3A_16 : f32 to vector<49x49xf32>
    %select_n3A_18 = arith.select %eq3A_15, %broadcast_in_dim3A_17, %dot_general3A_7 : vector<49x49xi1>, vector<49x49xf32>
    %reduce_max3A_19 = arith.constant dense<0xFF800000> : vector<49xf32>
    %reduce_max3A_20 = vector.multi_reduction <maximumf>, %select_n3A_18, %reduce_max3A_19 [1] : vector<49x49xf32> to vector<49xf32>
    %broadcast_in_dim3A_21 = vector.shape_cast %reduce_max3A_20 : vector<49xf32> to vector<49x1xf32>
    %eq3A_22 = vector.broadcast %broadcast_in_dim3A_21 : vector<49x1xf32> to vector<49x49xf32>
    %eq3A_23 = arith.cmpf oeq, %select_n3A_18, %eq3A_22 : vector<49x49xf32>
    %jit3A_24 = arith.constant 49 : i32
    %broadcast_in_dim3A_25 = vector.broadcast %jit3A_24 : i32 to vector<49x49xi32>
    %select_n3A_26 = arith.select %eq3A_23, %iota3A, %broadcast_in_dim3A_25 : vector<49x49xi1>, vector<49x49xi32>
    %reduce_min3A_27 = arith.constant dense<2147483647> : vector<49xi32>
    %reduce_min3A_28 = vector.multi_reduction <minsi>, %select_n3A_26, %reduce_min3A_27 [1] : vector<49x49xi32> to vector<49xi32>
    %broadcast_in_dim3A_29 = vector.shape_cast %reduce_min3A_28 : vector<49xi32> to vector<49x1xi32>
    %broadcast_in_dim3A_30 = vector.shape_cast %reduce_min3A_28 : vector<49xi32> to vector<49x1xi32>
    %eq3A_31 = vector.broadcast %broadcast_in_dim3A_30 : vector<49x1xi32> to vector<49x49xi32>
    %eq3A_32 = arith.cmpi eq, %iota3A, %eq3A_31 : vector<49x49xi32>
    %jit3A_33 = arith.constant 0xFF800000 : f32
    %broadcast_in_dim3A_34 = vector.broadcast %jit3A_33 : f32 to vector<49x49xf32>
    %select_n3A_35 = arith.select %eq3A_32, %broadcast_in_dim3A_34, %select_n3A_18 : vector<49x49xi1>, vector<49x49xf32>
    %reduce_max3A_36 = arith.constant dense<0xFF800000> : vector<49xf32>
    %reduce_max3A_37 = vector.multi_reduction <maximumf>, %select_n3A_35, %reduce_max3A_36 [1] : vector<49x49xf32> to vector<49xf32>
    %broadcast_in_dim3A_38 = vector.shape_cast %reduce_max3A_37 : vector<49xf32> to vector<49x1xf32>
    %eq3A_39 = vector.broadcast %broadcast_in_dim3A_38 : vector<49x1xf32> to vector<49x49xf32>
    %eq3A_40 = arith.cmpf oeq, %select_n3A_35, %eq3A_39 : vector<49x49xf32>
    %jit3A_41 = arith.constant 49 : i32
    %broadcast_in_dim3A_42 = vector.broadcast %jit3A_41 : i32 to vector<49x49xi32>
    %select_n3A_43 = arith.select %eq3A_40, %iota3A, %broadcast_in_dim3A_42 : vector<49x49xi1>, vector<49x49xi32>
    %reduce_min3A_44 = arith.constant dense<2147483647> : vector<49xi32>
    %reduce_min3A_45 = vector.multi_reduction <minsi>, %select_n3A_43, %reduce_min3A_44 [1] : vector<49x49xi32> to vector<49xi32>
    %broadcast_in_dim3A_46 = vector.shape_cast %reduce_min3A_45 : vector<49xi32> to vector<49x1xi32>
    %broadcast_in_dim3A_47 = vector.shape_cast %reduce_min3A_45 : vector<49xi32> to vector<49x1xi32>
    %eq3A_48 = vector.broadcast %broadcast_in_dim3A_47 : vector<49x1xi32> to vector<49x49xi32>
    %eq3A_49 = arith.cmpi eq, %iota3A, %eq3A_48 : vector<49x49xi32>
    %jit3A_50 = arith.constant 0xFF800000 : f32
    %broadcast_in_dim3A_51 = vector.broadcast %jit3A_50 : f32 to vector<49x49xf32>
    %select_n3A_52 = arith.select %eq3A_49, %broadcast_in_dim3A_51, %select_n3A_35 : vector<49x49xi1>, vector<49x49xf32>
    %reduce_max3A_53 = arith.constant dense<0xFF800000> : vector<49xf32>
    %reduce_max3A_54 = vector.multi_reduction <maximumf>, %select_n3A_52, %reduce_max3A_53 [1] : vector<49x49xf32> to vector<49xf32>
    %broadcast_in_dim3A_55 = vector.shape_cast %reduce_max3A_54 : vector<49xf32> to vector<49x1xf32>
    %eq3A_56 = vector.broadcast %broadcast_in_dim3A_55 : vector<49x1xf32> to vector<49x49xf32>
    %eq3A_57 = arith.cmpf oeq, %select_n3A_52, %eq3A_56 : vector<49x49xf32>
    %jit3A_58 = arith.constant 49 : i32
    %broadcast_in_dim3A_59 = vector.broadcast %jit3A_58 : i32 to vector<49x49xi32>
    %select_n3A_60 = arith.select %eq3A_57, %iota3A, %broadcast_in_dim3A_59 : vector<49x49xi1>, vector<49x49xi32>
    %reduce_min3A_61 = arith.constant dense<2147483647> : vector<49xi32>
    %reduce_min3A_62 = vector.multi_reduction <minsi>, %select_n3A_60, %reduce_min3A_61 [1] : vector<49x49xi32> to vector<49xi32>
    %broadcast_in_dim3A_63 = vector.shape_cast %reduce_min3A_62 : vector<49xi32> to vector<49x1xi32>
    %broadcast_in_dim3A_64 = arith.constant 0 : i32
    %broadcast_in_dim3A_65 = vector.broadcast %broadcast_in_dim3A_64 : i32 to vector<49x4xi32>
    %concatenate3A = tpu.concatenate %broadcast_in_dim3A_12, %broadcast_in_dim3A_29, %broadcast_in_dim3A_46, %broadcast_in_dim3A_63, %broadcast_in_dim3A_65 in 1 : vector<49x1xi32>, vector<49x1xi32>, vector<49x1xi32>, vector<49x1xi32>, vector<49x4xi32> -> vector<49x8xi32>
    %swap3A = arith.constant 0 : index
    %swap3A_66 = arith.constant 0 : index
    %swap3A_67 = vector.load %arg2[%swap3A, %swap3A_66] : memref<49x8xi32, #tpu.memory_space<vmem>>, vector<49x8xi32>
    tpu.vector_store %arg2[%swap3A, %swap3A_66], %concatenate3A {strides = array<i32>} : memref<49x8xi32, #tpu.memory_space<vmem>>, vector<49x8xi32>,
    return
  }
  func.func @transform_0(%arg0: i32) -> (i32, i32, i32) {
    %c0_i32 = arith.constant 0 : i32
    %c0_i32_0 = arith.constant 0 : i32
    %c0_i32_1 = arith.constant 0 : i32
    %c0_i32_2 = arith.constant 0 : i32
    return %c0_i32, %c0_i32_0, %c0_i32_1 : i32, i32, i32
  }
  func.func @transform_1(%arg0: i32) -> (i32, i32) {
    %c0_i32 = arith.constant 0 : i32
    %c0_i32_0 = arith.constant 0 : i32
    %c0_i32_1 = arith.constant 0 : i32
    return %c0_i32, %c0_i32_0 : i32, i32
  }
}

module attributes {stable_mosaic.version = 14 : i64} {
  func.func @_attn_body(%arg0: i32, %arg1: memref<1x1024x384xbf16, #tpu.memory_space<vmem>>, %arg2: memref<4x16x768xf32, #tpu.memory_space<vmem>>, %arg3: memref<512x8xbf16, #tpu.memory_space<vmem>>, %arg4: memref<8x384xbf16, #tpu.memory_space<vmem>>, %arg5: memref<32x32x384xbf16, #tpu.memory_space<vmem>>) attributes {dimension_semantics = [#tpu.dimension_semantics<arbitrary>], iteration_bounds = array<i64: 49>, scalar_prefetch = 0 : i64, scratch_operands = 0 : i64, tpu.core_type = #tpu.core_type<tc>, window_params = [{transform_indices = @transform_0, window_bounds = array<i64: 1, 1024, 384>}, {transform_indices = @transform_1, window_bounds = array<i64: 4, 16, 768>}, {pipeline_mode = #tpu.pipeline_mode<synchronous>, transform_indices = @transform_2, window_bounds = array<i64: 512, 8>}, {pipeline_mode = #tpu.pipeline_mode<synchronous>, transform_indices = @transform_3, window_bounds = array<i64: 8, 384>}, {transform_indices = @transform_4, window_bounds = array<i64: 32, 32, 384>}]} {
    %get3A = arith.constant 0 : index
    %get3A_0 = arith.constant 0 : index
    %get3A_1 = arith.constant 0 : index
    %get3A_2 = vector.load %arg1[%get3A, %get3A_0, %get3A_1] : memref<1x1024x384xbf16, #tpu.memory_space<vmem>>, vector<1x1024x384xbf16>
    %get3A_3 = vector.shape_cast %get3A_2 : vector<1x1024x384xbf16> to vector<1024x384xbf16>
    %get3A_4 = arith.constant 0 : index
    %get3A_5 = arith.constant 0 : index
    %get3A_6 = arith.constant 0 : index
    %get3A_7 = vector.load %arg2[%get3A_4, %get3A_5, %get3A_6] : memref<4x16x768xf32, #tpu.memory_space<vmem>>, vector<4x16x768xf32>
    %reshape3A = vector.shape_cast %get3A_7 : vector<4x16x768xf32> to vector<64x768xf32>
    %slice3A = vector.extract_strided_slice %reshape3A {offsets = [0, 0], sizes = [64, 384], strides = [1, 1]} : vector<64x768xf32> to vector<64x384xf32>
    %mul3A = arith.constant 0.0510310382 : f32
    %mul3A_8 = vector.broadcast %mul3A : f32 to vector<64x384xf32>
    %mul3A_9 = arith.mulf %slice3A, %mul3A_8 : vector<64x384xf32>
    %convert_element_type3A = arith.truncf %mul3A_9 : vector<64x384xf32> to vector<64x384xbf16>
    %transpose3A = tpu.transpose %convert_element_type3A, [1, 0] : vector<64x384xbf16> -> vector<384x64xbf16>
    %slice3A_10 = vector.extract_strided_slice %reshape3A {offsets = [0, 384], sizes = [64, 384], strides = [1, 1]} : vector<64x768xf32> to vector<64x384xf32>
    %convert_element_type3A_11 = arith.truncf %slice3A_10 : vector<64x384xf32> to vector<64x384xbf16>
    %slice3A_12 = vector.extract_strided_slice %transpose3A {offsets = [0, 0], sizes = [48, 64], strides = [1, 1]} : vector<384x64xbf16> to vector<48x64xbf16>
    %broadcast_in_dim3A = arith.constant 0.000000e+00 : bf16
    %broadcast_in_dim3A_13 = vector.broadcast %broadcast_in_dim3A : bf16 to vector<48x448xbf16>
    %concatenate3A = tpu.concatenate %slice3A_12, %broadcast_in_dim3A_13 in 1 : vector<48x64xbf16>, vector<48x448xbf16> -> vector<48x512xbf16>
    %slice3A_14 = vector.extract_strided_slice %convert_element_type3A_11 {offsets = [0, 0], sizes = [64, 48], strides = [1, 1]} : vector<64x384xbf16> to vector<64x48xbf16>
    %broadcast_in_dim3A_15 = arith.constant 0.000000e+00 : bf16
    %broadcast_in_dim3A_16 = vector.broadcast %broadcast_in_dim3A_15 : bf16 to vector<64x336xbf16>
    %concatenate3A_17 = tpu.concatenate %slice3A_14, %broadcast_in_dim3A_16 in 1 : vector<64x48xbf16>, vector<64x336xbf16> -> vector<64x384xbf16>
    %broadcast_in_dim3A_18 = arith.constant 0.000000e+00 : bf16
    %broadcast_in_dim3A_19 = vector.broadcast %broadcast_in_dim3A_18 : bf16 to vector<48x64xbf16>
    %slice3A_20 = vector.extract_strided_slice %transpose3A {offsets = [48, 0], sizes = [48, 64], strides = [1, 1]} : vector<384x64xbf16> to vector<48x64xbf16>
    %broadcast_in_dim3A_21 = arith.constant 0.000000e+00 : bf16
    %broadcast_in_dim3A_22 = vector.broadcast %broadcast_in_dim3A_21 : bf16 to vector<48x384xbf16>
    %concatenate3A_23 = tpu.concatenate %broadcast_in_dim3A_19, %slice3A_20, %broadcast_in_dim3A_22 in 1 : vector<48x64xbf16>, vector<48x64xbf16>, vector<48x384xbf16> -> vector<48x512xbf16>
    %broadcast_in_dim3A_24 = arith.constant 0.000000e+00 : bf16
    %broadcast_in_dim3A_25 = vector.broadcast %broadcast_in_dim3A_24 : bf16 to vector<64x48xbf16>
    %slice3A_26 = vector.extract_strided_slice %convert_element_type3A_11 {offsets = [0, 48], sizes = [64, 48], strides = [1, 1]} : vector<64x384xbf16> to vector<64x48xbf16>
    %broadcast_in_dim3A_27 = arith.constant 0.000000e+00 : bf16
    %broadcast_in_dim3A_28 = vector.broadcast %broadcast_in_dim3A_27 : bf16 to vector<64x288xbf16>
    %concatenate3A_29 = tpu.concatenate %broadcast_in_dim3A_25, %slice3A_26, %broadcast_in_dim3A_28 in 1 : vector<64x48xbf16>, vector<64x48xbf16>, vector<64x288xbf16> -> vector<64x384xbf16>
    %broadcast_in_dim3A_30 = arith.constant 0.000000e+00 : bf16
    %broadcast_in_dim3A_31 = vector.broadcast %broadcast_in_dim3A_30 : bf16 to vector<48x128xbf16>
    %slice3A_32 = vector.extract_strided_slice %transpose3A {offsets = [96, 0], sizes = [48, 64], strides = [1, 1]} : vector<384x64xbf16> to vector<48x64xbf16>
    %broadcast_in_dim3A_33 = arith.constant 0.000000e+00 : bf16
    %broadcast_in_dim3A_34 = vector.broadcast %broadcast_in_dim3A_33 : bf16 to vector<48x320xbf16>
    %concatenate3A_35 = tpu.concatenate %broadcast_in_dim3A_31, %slice3A_32, %broadcast_in_dim3A_34 in 1 : vector<48x128xbf16>, vector<48x64xbf16>, vector<48x320xbf16> -> vector<48x512xbf16>
    %broadcast_in_dim3A_36 = arith.constant 0.000000e+00 : bf16
    %broadcast_in_dim3A_37 = vector.broadcast %broadcast_in_dim3A_36 : bf16 to vector<64x96xbf16>
    %slice3A_38 = vector.extract_strided_slice %convert_element_type3A_11 {offsets = [0, 96], sizes = [64, 48], strides = [1, 1]} : vector<64x384xbf16> to vector<64x48xbf16>
    %broadcast_in_dim3A_39 = arith.constant 0.000000e+00 : bf16
    %broadcast_in_dim3A_40 = vector.broadcast %broadcast_in_dim3A_39 : bf16 to vector<64x240xbf16>
    %concatenate3A_41 = tpu.concatenate %broadcast_in_dim3A_37, %slice3A_38, %broadcast_in_dim3A_40 in 1 : vector<64x96xbf16>, vector<64x48xbf16>, vector<64x240xbf16> -> vector<64x384xbf16>
    %broadcast_in_dim3A_42 = arith.constant 0.000000e+00 : bf16
    %broadcast_in_dim3A_43 = vector.broadcast %broadcast_in_dim3A_42 : bf16 to vector<48x192xbf16>
    %slice3A_44 = vector.extract_strided_slice %transpose3A {offsets = [144, 0], sizes = [48, 64], strides = [1, 1]} : vector<384x64xbf16> to vector<48x64xbf16>
    %broadcast_in_dim3A_45 = arith.constant 0.000000e+00 : bf16
    %broadcast_in_dim3A_46 = vector.broadcast %broadcast_in_dim3A_45 : bf16 to vector<48x256xbf16>
    %concatenate3A_47 = tpu.concatenate %broadcast_in_dim3A_43, %slice3A_44, %broadcast_in_dim3A_46 in 1 : vector<48x192xbf16>, vector<48x64xbf16>, vector<48x256xbf16> -> vector<48x512xbf16>
    %broadcast_in_dim3A_48 = arith.constant 0.000000e+00 : bf16
    %broadcast_in_dim3A_49 = vector.broadcast %broadcast_in_dim3A_48 : bf16 to vector<64x144xbf16>
    %slice3A_50 = vector.extract_strided_slice %convert_element_type3A_11 {offsets = [0, 144], sizes = [64, 48], strides = [1, 1]} : vector<64x384xbf16> to vector<64x48xbf16>
    %broadcast_in_dim3A_51 = arith.constant 0.000000e+00 : bf16
    %broadcast_in_dim3A_52 = vector.broadcast %broadcast_in_dim3A_51 : bf16 to vector<64x192xbf16>
    %concatenate3A_53 = tpu.concatenate %broadcast_in_dim3A_49, %slice3A_50, %broadcast_in_dim3A_52 in 1 : vector<64x144xbf16>, vector<64x48xbf16>, vector<64x192xbf16> -> vector<64x384xbf16>
    %broadcast_in_dim3A_54 = arith.constant 0.000000e+00 : bf16
    %broadcast_in_dim3A_55 = vector.broadcast %broadcast_in_dim3A_54 : bf16 to vector<48x256xbf16>
    %slice3A_56 = vector.extract_strided_slice %transpose3A {offsets = [192, 0], sizes = [48, 64], strides = [1, 1]} : vector<384x64xbf16> to vector<48x64xbf16>
    %broadcast_in_dim3A_57 = arith.constant 0.000000e+00 : bf16
    %broadcast_in_dim3A_58 = vector.broadcast %broadcast_in_dim3A_57 : bf16 to vector<48x192xbf16>
    %concatenate3A_59 = tpu.concatenate %broadcast_in_dim3A_55, %slice3A_56, %broadcast_in_dim3A_58 in 1 : vector<48x256xbf16>, vector<48x64xbf16>, vector<48x192xbf16> -> vector<48x512xbf16>
    %broadcast_in_dim3A_60 = arith.constant 0.000000e+00 : bf16
    %broadcast_in_dim3A_61 = vector.broadcast %broadcast_in_dim3A_60 : bf16 to vector<64x192xbf16>
    %slice3A_62 = vector.extract_strided_slice %convert_element_type3A_11 {offsets = [0, 192], sizes = [64, 48], strides = [1, 1]} : vector<64x384xbf16> to vector<64x48xbf16>
    %broadcast_in_dim3A_63 = arith.constant 0.000000e+00 : bf16
    %broadcast_in_dim3A_64 = vector.broadcast %broadcast_in_dim3A_63 : bf16 to vector<64x144xbf16>
    %concatenate3A_65 = tpu.concatenate %broadcast_in_dim3A_61, %slice3A_62, %broadcast_in_dim3A_64 in 1 : vector<64x192xbf16>, vector<64x48xbf16>, vector<64x144xbf16> -> vector<64x384xbf16>
    %broadcast_in_dim3A_66 = arith.constant 0.000000e+00 : bf16
    %broadcast_in_dim3A_67 = vector.broadcast %broadcast_in_dim3A_66 : bf16 to vector<48x320xbf16>
    %slice3A_68 = vector.extract_strided_slice %transpose3A {offsets = [240, 0], sizes = [48, 64], strides = [1, 1]} : vector<384x64xbf16> to vector<48x64xbf16>
    %broadcast_in_dim3A_69 = arith.constant 0.000000e+00 : bf16
    %broadcast_in_dim3A_70 = vector.broadcast %broadcast_in_dim3A_69 : bf16 to vector<48x128xbf16>
    %concatenate3A_71 = tpu.concatenate %broadcast_in_dim3A_67, %slice3A_68, %broadcast_in_dim3A_70 in 1 : vector<48x320xbf16>, vector<48x64xbf16>, vector<48x128xbf16> -> vector<48x512xbf16>
    %broadcast_in_dim3A_72 = arith.constant 0.000000e+00 : bf16
    %broadcast_in_dim3A_73 = vector.broadcast %broadcast_in_dim3A_72 : bf16 to vector<64x240xbf16>
    %slice3A_74 = vector.extract_strided_slice %convert_element_type3A_11 {offsets = [0, 240], sizes = [64, 48], strides = [1, 1]} : vector<64x384xbf16> to vector<64x48xbf16>
    %broadcast_in_dim3A_75 = arith.constant 0.000000e+00 : bf16
    %broadcast_in_dim3A_76 = vector.broadcast %broadcast_in_dim3A_75 : bf16 to vector<64x96xbf16>
    %concatenate3A_77 = tpu.concatenate %broadcast_in_dim3A_73, %slice3A_74, %broadcast_in_dim3A_76 in 1 : vector<64x240xbf16>, vector<64x48xbf16>, vector<64x96xbf16> -> vector<64x384xbf16>
    %broadcast_in_dim3A_78 = arith.constant 0.000000e+00 : bf16
    %broadcast_in_dim3A_79 = vector.broadcast %broadcast_in_dim3A_78 : bf16 to vector<48x384xbf16>
    %slice3A_80 = vector.extract_strided_slice %transpose3A {offsets = [288, 0], sizes = [48, 64], strides = [1, 1]} : vector<384x64xbf16> to vector<48x64xbf16>
    %broadcast_in_dim3A_81 = arith.constant 0.000000e+00 : bf16
    %broadcast_in_dim3A_82 = vector.broadcast %broadcast_in_dim3A_81 : bf16 to vector<48x64xbf16>
    %concatenate3A_83 = tpu.concatenate %broadcast_in_dim3A_79, %slice3A_80, %broadcast_in_dim3A_82 in 1 : vector<48x384xbf16>, vector<48x64xbf16>, vector<48x64xbf16> -> vector<48x512xbf16>
    %broadcast_in_dim3A_84 = arith.constant 0.000000e+00 : bf16
    %broadcast_in_dim3A_85 = vector.broadcast %broadcast_in_dim3A_84 : bf16 to vector<64x288xbf16>
    %slice3A_86 = vector.extract_strided_slice %convert_element_type3A_11 {offsets = [0, 288], sizes = [64, 48], strides = [1, 1]} : vector<64x384xbf16> to vector<64x48xbf16>
    %broadcast_in_dim3A_87 = arith.constant 0.000000e+00 : bf16
    %broadcast_in_dim3A_88 = vector.broadcast %broadcast_in_dim3A_87 : bf16 to vector<64x48xbf16>
    %concatenate3A_89 = tpu.concatenate %broadcast_in_dim3A_85, %slice3A_86, %broadcast_in_dim3A_88 in 1 : vector<64x288xbf16>, vector<64x48xbf16>, vector<64x48xbf16> -> vector<64x384xbf16>
    %broadcast_in_dim3A_90 = arith.constant 0.000000e+00 : bf16
    %broadcast_in_dim3A_91 = vector.broadcast %broadcast_in_dim3A_90 : bf16 to vector<48x448xbf16>
    %slice3A_92 = vector.extract_strided_slice %transpose3A {offsets = [336, 0], sizes = [48, 64], strides = [1, 1]} : vector<384x64xbf16> to vector<48x64xbf16>
    %concatenate3A_93 = tpu.concatenate %broadcast_in_dim3A_91, %slice3A_92 in 1 : vector<48x448xbf16>, vector<48x64xbf16> -> vector<48x512xbf16>
    %broadcast_in_dim3A_94 = arith.constant 0.000000e+00 : bf16
    %broadcast_in_dim3A_95 = vector.broadcast %broadcast_in_dim3A_94 : bf16 to vector<64x336xbf16>
    %slice3A_96 = vector.extract_strided_slice %convert_element_type3A_11 {offsets = [0, 336], sizes = [64, 48], strides = [1, 1]} : vector<64x384xbf16> to vector<64x48xbf16>
    %concatenate3A_97 = tpu.concatenate %broadcast_in_dim3A_95, %slice3A_96 in 1 : vector<64x336xbf16>, vector<64x48xbf16> -> vector<64x384xbf16>
    %concatenate3A_98 = tpu.concatenate %concatenate3A, %concatenate3A_23, %concatenate3A_35, %concatenate3A_47, %concatenate3A_59, %concatenate3A_71, %concatenate3A_83, %concatenate3A_93 in 0 : vector<48x512xbf16>, vector<48x512xbf16>, vector<48x512xbf16>, vector<48x512xbf16>, vector<48x512xbf16>, vector<48x512xbf16>, vector<48x512xbf16>, vector<48x512xbf16> -> vector<384x512xbf16>
    %concatenate3A_99 = tpu.concatenate %concatenate3A_17, %concatenate3A_29, %concatenate3A_41, %concatenate3A_53, %concatenate3A_65, %concatenate3A_77, %concatenate3A_89, %concatenate3A_97 in 0 : vector<64x384xbf16>, vector<64x384xbf16>, vector<64x384xbf16>, vector<64x384xbf16>, vector<64x384xbf16>, vector<64x384xbf16>, vector<64x384xbf16>, vector<64x384xbf16> -> vector<512x384xbf16>
    %dot_general3A = arith.constant dense<0.000000e+00> : vector<1024x512xf32>
    %dot_general3A_100 = tpu.matmul %get3A_3, %concatenate3A_98, %dot_general3A {dimension_numbers = #tpu.dot_dimension_numbers<[1], [0], [0], [1], [0, 0, 1, 1], [], []>, transpose_lhs_hint = false} : vector<1024x384xbf16>, vector<384x512xbf16>, vector<1024x512xf32> -> vector<1024x512xf32>
    %exp3A = math.exp %dot_general3A_100 : vector<1024x512xf32>
    %convert_element_type3A_101 = arith.truncf %exp3A : vector<1024x512xf32> to vector<1024x512xbf16>
    %dot_general3A_102 = arith.constant dense<0.000000e+00> : vector<1024x384xf32>
    %dot_general3A_103 = tpu.matmul %convert_element_type3A_101, %concatenate3A_99, %dot_general3A_102 {dimension_numbers = #tpu.dot_dimension_numbers<[1], [0], [0], [1], [0, 0, 1, 1], [], []>, transpose_lhs_hint = false} : vector<1024x512xbf16>, vector<512x384xbf16>, vector<1024x384xf32> -> vector<1024x384xf32>
    %get3A_104 = arith.constant 0 : index
    %get3A_105 = arith.constant 0 : index
    %get3A_106 = vector.load %arg3[%get3A_104, %get3A_105] : memref<512x8xbf16, #tpu.memory_space<vmem>>, vector<512x8xbf16>
    %dot_general3A_107 = arith.constant dense<0.000000e+00> : vector<1024x8xf32>
    %dot_general3A_108 = tpu.matmul %convert_element_type3A_101, %get3A_106, %dot_general3A_107 {dimension_numbers = #tpu.dot_dimension_numbers<[1], [0], [0], [1], [0, 0, 1, 1], [], []>, transpose_lhs_hint = false} : vector<1024x512xbf16>, vector<512x8xbf16>, vector<1024x8xf32> -> vector<1024x8xf32>
    %div3A = arith.constant 1.000000e+00 : f32
    %div3A_109 = vector.broadcast %div3A : f32 to vector<1024x8xf32>
    %div3A_110 = arith.divf %div3A_109, %dot_general3A_108 : vector<1024x8xf32>
    %convert_element_type3A_111 = arith.truncf %div3A_110 : vector<1024x8xf32> to vector<1024x8xbf16>
    %get3A_112 = arith.constant 0 : index
    %get3A_113 = arith.constant 0 : index
    %get3A_114 = vector.load %arg4[%get3A_112, %get3A_113] : memref<8x384xbf16, #tpu.memory_space<vmem>>, vector<8x384xbf16>
    %dot_general3A_115 = arith.constant dense<0.000000e+00> : vector<1024x384xf32>
    %dot_general3A_116 = tpu.matmul %convert_element_type3A_111, %get3A_114, %dot_general3A_115 {dimension_numbers = #tpu.dot_dimension_numbers<[1], [0], [0], [1], [0, 0, 1, 1], [], []>, transpose_lhs_hint = false} : vector<1024x8xbf16>, vector<8x384xbf16>, vector<1024x384xf32> -> vector<1024x384xf32>
    %mul3A_117 = arith.mulf %dot_general3A_103, %dot_general3A_116 : vector<1024x384xf32>
    %convert_element_type3A_118 = arith.truncf %mul3A_117 : vector<1024x384xf32> to vector<1024x384xbf16>
    %reshape3A_119 = vector.shape_cast %convert_element_type3A_118 : vector<1024x384xbf16> to vector<32x32x384xbf16>
    %swap3A = arith.constant 0 : index
    %swap3A_120 = arith.constant 0 : index
    %swap3A_121 = arith.constant 0 : index
    %swap3A_122 = vector.load %arg5[%swap3A, %swap3A_120, %swap3A_121] : memref<32x32x384xbf16, #tpu.memory_space<vmem>>, vector<32x32x384xbf16>
    tpu.vector_store %arg5[%swap3A, %swap3A_120, %swap3A_121], %reshape3A_119 {strides = array<i32>} : memref<32x32x384xbf16, #tpu.memory_space<vmem>>, vector<32x32x384xbf16>,
    return
  }
  func.func @transform_0(%arg0: i32) -> (i32, i32, i32) {
    %c0_i32 = arith.constant 0 : i32
    %c0_i32_0 = arith.constant 0 : i32
    %c0_i32_1 = arith.constant 0 : i32
    return %arg0, %c0_i32, %c0_i32_0 : i32, i32, i32
  }
  func.func @transform_1(%arg0: i32) -> (i32, i32, i32) {
    %c0_i32 = arith.constant 0 : i32
    %c0_i32_0 = arith.constant 0 : i32
    %c0_i32_1 = arith.constant 0 : i32
    return %arg0, %c0_i32, %c0_i32_0 : i32, i32, i32
  }
  func.func @transform_2(%arg0: i32) -> (i32, i32) {
    %c0_i32 = arith.constant 0 : i32
    %c0_i32_0 = arith.constant 0 : i32
    %c0_i32_1 = arith.constant 0 : i32
    return %c0_i32, %c0_i32_0 : i32, i32
  }
  func.func @transform_3(%arg0: i32) -> (i32, i32) {
    %c0_i32 = arith.constant 0 : i32
    %c0_i32_0 = arith.constant 0 : i32
    %c0_i32_1 = arith.constant 0 : i32
    return %c0_i32, %c0_i32_0 : i32, i32
  }
  func.func @transform_4(%arg0: i32) -> (i32, i32, i32) {
    %jit3A = arith.constant 7 : i32
    %div3A = arith.divsi %arg0, %jit3A : i32
    %sign3A = arith.constant 0 : i32
    %sign3A_0 = arith.cmpi sgt, %arg0, %sign3A : i32
    %sign3A_1 = arith.extui %sign3A_0 : i1 to i32
    %sign3A_2 = arith.constant 0 : i32
    %sign3A_3 = arith.cmpi slt, %arg0, %sign3A_2 : i32
    %sign3A_4 = arith.extui %sign3A_3 : i1 to i32
    %sign3A_5 = arith.subi %sign3A_1, %sign3A_4 : i32
    %sign3A_6 = arith.constant 0 : i32
    %sign3A_7 = arith.cmpi sgt, %jit3A, %sign3A_6 : i32
    %sign3A_8 = arith.extui %sign3A_7 : i1 to i32
    %sign3A_9 = arith.constant 0 : i32
    %sign3A_10 = arith.cmpi slt, %jit3A, %sign3A_9 : i32
    %sign3A_11 = arith.extui %sign3A_10 : i1 to i32
    %sign3A_12 = arith.subi %sign3A_8, %sign3A_11 : i32
    %ne3A = arith.cmpi ne, %sign3A_5, %sign3A_12 : i32
    %rem3A = arith.remsi %arg0, %jit3A : i32
    %ne3A_13 = arith.constant 0 : i32
    %ne3A_14 = arith.cmpi ne, %rem3A, %ne3A_13 : i32
    %and3A = arith.andi %ne3A, %ne3A_14 : i1
    %sub3A = arith.constant 1 : i32
    %sub3A_15 = arith.subi %div3A, %sub3A : i32
    %select_n3A = arith.select %and3A, %sub3A_15, %div3A : i32
    %jit3A_16 = arith.constant 7 : i32
    %eq3A = arith.constant 0 : i32
    %eq3A_17 = arith.cmpi eq, %jit3A_16, %eq3A : i32
    %jit3A_18 = arith.constant 1 : i32
    %select_n3A_19 = arith.select %eq3A_17, %jit3A_18, %jit3A_16 : i32
    %rem3A_20 = arith.remsi %arg0, %select_n3A_19 : i32
    %ne3A_21 = arith.constant 0 : i32
    %ne3A_22 = arith.cmpi ne, %rem3A_20, %ne3A_21 : i32
    %lt3A = arith.constant 0 : i32
    %lt3A_23 = arith.cmpi slt, %rem3A_20, %lt3A : i32
    %lt3A_24 = arith.constant 0 : i32
    %lt3A_25 = arith.cmpi slt, %select_n3A_19, %lt3A_24 : i32
    %ne3A_26 = arith.xori %lt3A_23, %lt3A_25 : i1
    %and3A_27 = arith.andi %ne3A_26, %ne3A_22 : i1
    %add3A = arith.addi %rem3A_20, %select_n3A_19 : i32
    %select_n3A_28 = arith.select %and3A_27, %add3A, %rem3A_20 : i32
    %c0_i32 = arith.constant 0 : i32
    %c0_i32_29 = arith.constant 0 : i32
    return %select_n3A, %select_n3A_28, %c0_i32 : i32, i32, i32
  }
}

module attributes {stable_mosaic.version = 14 : i64} {
  func.func @_lepe_body(%arg0: i32, %arg1: memref<8x224x384xbf16, #tpu.memory_space<vmem>>, %arg2: memref<8x224x384xbf16, #tpu.memory_space<vmem>>, %arg3: memref<8x224x384xbf16, #tpu.memory_space<vmem>>, %arg4: memref<8x224x384xbf16, #tpu.memory_space<vmem>>, %arg5: memref<8x224x384xf32, #tpu.memory_space<vmem>>, %arg6: memref<25x384xf32, #tpu.memory_space<vmem>>, %arg7: memref<1x384xf32, #tpu.memory_space<vmem>>, %arg8: memref<384x384xf32, #tpu.memory_space<vmem>>, %arg9: memref<1x384xf32, #tpu.memory_space<vmem>>, %arg10: memref<8x224x384xbf16, #tpu.memory_space<vmem>>, %arg11: memref<12x228x384xf32, #tpu.memory_space<vmem>>) attributes {dimension_semantics = [#tpu.dimension_semantics<arbitrary>], iteration_bounds = array<i64: 28>, scalar_prefetch = 0 : i64, scratch_operands = 1 : i64, tpu.core_type = #tpu.core_type<tc>, window_params = [{transform_indices = @transform_0, window_bounds = array<i64: 8, 224, 384>}, {transform_indices = @transform_1, window_bounds = array<i64: 8, 224, 384>}, {transform_indices = @transform_2, window_bounds = array<i64: 8, 224, 384>}, {transform_indices = @transform_3, window_bounds = array<i64: 8, 224, 384>}, {transform_indices = @transform_4, window_bounds = array<i64: 8, 224, 384>}, {pipeline_mode = #tpu.pipeline_mode<synchronous>, transform_indices = @transform_5, window_bounds = array<i64: 25, 384>}, {pipeline_mode = #tpu.pipeline_mode<synchronous>, transform_indices = @transform_6, window_bounds = array<i64: 1, 384>}, {pipeline_mode = #tpu.pipeline_mode<synchronous>, transform_indices = @transform_7, window_bounds = array<i64: 384, 384>}, {pipeline_mode = #tpu.pipeline_mode<synchronous>, transform_indices = @transform_8, window_bounds = array<i64: 1, 384>}, {transform_indices = @transform_9, window_bounds = array<i64: 8, 224, 384>}]} {
    %get3A = arith.constant 0 : index
    %get3A_0 = arith.constant 0 : index
    %get3A_1 = arith.constant 0 : index
    %get3A_2 = vector.load %arg1[%get3A, %get3A_0, %get3A_1] : memref<8x224x384xbf16, #tpu.memory_space<vmem>>, vector<8x224x384xbf16>
    %convert_element_type3A = arith.extf %get3A_2 : vector<8x224x384xbf16> to vector<8x224x384xf32>
    %gt3A = arith.constant 0 : i32
    %gt3A_3 = arith.cmpi sgt, %arg0, %gt3A : i32
    %get3A_4 = arith.constant 6 : index
    %get3A_5 = arith.constant 0 : index
    %get3A_6 = arith.constant 0 : index
    %get3A_7 = vector.load %arg2[%get3A_4, %get3A_5, %get3A_6] : memref<8x224x384xbf16, #tpu.memory_space<vmem>>, vector<2x224x384xbf16>
    %convert_element_type3A_8 = arith.extf %get3A_7 : vector<2x224x384xbf16> to vector<2x224x384xf32>
    %jit3A = arith.constant 0.000000e+00 : f32
    %broadcast_in_dim3A = vector.broadcast %jit3A : f32 to vector<2x224x384xf32>
    %select_n3A = arith.select %gt3A_3, %convert_element_type3A_8, %broadcast_in_dim3A : vector<2x224x384xf32>
    %lt3A = arith.constant 27 : i32
    %lt3A_9 = arith.cmpi slt, %arg0, %lt3A : i32
    %get3A_10 = arith.constant 0 : index
    %get3A_11 = arith.constant 0 : index
    %get3A_12 = arith.constant 0 : index
    %get3A_13 = vector.load %arg3[%get3A_10, %get3A_11, %get3A_12] : memref<8x224x384xbf16, #tpu.memory_space<vmem>>, vector<2x224x384xbf16>
    %convert_element_type3A_14 = arith.extf %get3A_13 : vector<2x224x384xbf16> to vector<2x224x384xf32>
    %jit3A_15 = arith.constant 0.000000e+00 : f32
    %broadcast_in_dim3A_16 = vector.broadcast %jit3A_15 : f32 to vector<2x224x384xf32>
    %select_n3A_17 = arith.select %lt3A_9, %convert_element_type3A_14, %broadcast_in_dim3A_16 : vector<2x224x384xf32>
    %concatenate3A = tpu.concatenate %select_n3A, %convert_element_type3A, %select_n3A_17 in 0 : vector<2x224x384xf32>, vector<8x224x384xf32>, vector<2x224x384xf32> -> vector<12x224x384xf32>
    %swap3A = arith.constant 0 : index
    %swap3A_18 = arith.constant 2 : index
    %swap3A_19 = arith.constant 0 : index
    %swap3A_20 = vector.load %arg11[%swap3A, %swap3A_18, %swap3A_19] : memref<12x228x384xf32, #tpu.memory_space<vmem>>, vector<12x224x384xf32>
    tpu.vector_store %arg11[%swap3A, %swap3A_18, %swap3A_19], %concatenate3A {strides = array<i32>} : memref<12x228x384xf32, #tpu.memory_space<vmem>>, vector<12x224x384xf32>,
    %broadcast_in_dim3A_21 = arith.constant 0.000000e+00 : f32
    %broadcast_in_dim3A_22 = vector.broadcast %broadcast_in_dim3A_21 : f32 to vector<12x2x384xf32>
    %swap3A_23 = arith.constant 0 : index
    %swap3A_24 = arith.constant 0 : index
    %swap3A_25 = arith.constant 0 : index
    %swap3A_26 = vector.load %arg11[%swap3A_23, %swap3A_24, %swap3A_25] : memref<12x228x384xf32, #tpu.memory_space<vmem>>, vector<12x2x384xf32>
    tpu.vector_store %arg11[%swap3A_23, %swap3A_24, %swap3A_25], %broadcast_in_dim3A_22 {strides = array<i32>} : memref<12x228x384xf32, #tpu.memory_space<vmem>>, vector<12x2x384xf32>,
    %broadcast_in_dim3A_27 = arith.constant 0.000000e+00 : f32
    %broadcast_in_dim3A_28 = vector.broadcast %broadcast_in_dim3A_27 : f32 to vector<12x2x384xf32>
    %swap3A_29 = arith.constant 0 : index
    %swap3A_30 = arith.constant 226 : index
    %swap3A_31 = arith.constant 0 : index
    %swap3A_32 = vector.load %arg11[%swap3A_29, %swap3A_30, %swap3A_31] : memref<12x228x384xf32, #tpu.memory_space<vmem>>, vector<12x2x384xf32>
    tpu.vector_store %arg11[%swap3A_29, %swap3A_30, %swap3A_31], %broadcast_in_dim3A_28 {strides = array<i32>} : memref<12x228x384xf32, #tpu.memory_space<vmem>>, vector<12x2x384xf32>,
    %get3A_33 = arith.constant 0 : index
    %get3A_34 = arith.constant 0 : index
    %get3A_35 = arith.constant 0 : index
    %get3A_36 = vector.load %arg11[%get3A_33, %get3A_34, %get3A_35] : memref<12x228x384xf32, #tpu.memory_space<vmem>>, vector<12x224x384xf32>
    %slice3A = vector.extract_strided_slice %get3A_36 {offsets = [0, 0, 0], sizes = [8, 224, 384], strides = [1, 1, 1]} : vector<12x224x384xf32> to vector<8x224x384xf32>
    %get3A_37 = arith.constant 0 : index
    %get3A_38 = arith.constant 0 : index
    %get3A_39 = vector.load %arg6[%get3A_37, %get3A_38] : memref<25x384xf32, #tpu.memory_space<vmem>>, vector<1x384xf32>
    %get3A_40 = vector.shape_cast %get3A_39 : vector<1x384xf32> to vector<384xf32>
    %broadcast_in_dim3A_41 = vector.shape_cast %get3A_40 : vector<384xf32> to vector<1x1x384xf32>
    %mul3A = vector.broadcast %broadcast_in_dim3A_41 : vector<1x1x384xf32> to vector<8x224x384xf32>
    %mul3A_42 = arith.mulf %slice3A, %mul3A : vector<8x224x384xf32>
    %slice3A_43 = vector.extract_strided_slice %get3A_36 {offsets = [1, 0, 0], sizes = [8, 224, 384], strides = [1, 1, 1]} : vector<12x224x384xf32> to vector<8x224x384xf32>
    %get3A_44 = arith.constant 5 : index
    %get3A_45 = arith.constant 0 : index
    %get3A_46 = vector.load %arg6[%get3A_44, %get3A_45] : memref<25x384xf32, #tpu.memory_space<vmem>>, vector<1x384xf32>
    %get3A_47 = vector.shape_cast %get3A_46 : vector<1x384xf32> to vector<384xf32>
    %broadcast_in_dim3A_48 = vector.shape_cast %get3A_47 : vector<384xf32> to vector<1x1x384xf32>
    %mul3A_49 = vector.broadcast %broadcast_in_dim3A_48 : vector<1x1x384xf32> to vector<8x224x384xf32>
    %mul3A_50 = arith.mulf %slice3A_43, %mul3A_49 : vector<8x224x384xf32>
    %add3A = arith.addf %mul3A_42, %mul3A_50 : vector<8x224x384xf32>
    %slice3A_51 = vector.extract_strided_slice %get3A_36 {offsets = [2, 0, 0], sizes = [8, 224, 384], strides = [1, 1, 1]} : vector<12x224x384xf32> to vector<8x224x384xf32>
    %get3A_52 = arith.constant 10 : index
    %get3A_53 = arith.constant 0 : index
    %get3A_54 = vector.load %arg6[%get3A_52, %get3A_53] : memref<25x384xf32, #tpu.memory_space<vmem>>, vector<1x384xf32>
    %get3A_55 = vector.shape_cast %get3A_54 : vector<1x384xf32> to vector<384xf32>
    %broadcast_in_dim3A_56 = vector.shape_cast %get3A_55 : vector<384xf32> to vector<1x1x384xf32>
    %mul3A_57 = vector.broadcast %broadcast_in_dim3A_56 : vector<1x1x384xf32> to vector<8x224x384xf32>
    %mul3A_58 = arith.mulf %slice3A_51, %mul3A_57 : vector<8x224x384xf32>
    %add3A_59 = arith.addf %add3A, %mul3A_58 : vector<8x224x384xf32>
    %slice3A_60 = vector.extract_strided_slice %get3A_36 {offsets = [3, 0, 0], sizes = [8, 224, 384], strides = [1, 1, 1]} : vector<12x224x384xf32> to vector<8x224x384xf32>
    %get3A_61 = arith.constant 15 : index
    %get3A_62 = arith.constant 0 : index
    %get3A_63 = vector.load %arg6[%get3A_61, %get3A_62] : memref<25x384xf32, #tpu.memory_space<vmem>>, vector<1x384xf32>
    %get3A_64 = vector.shape_cast %get3A_63 : vector<1x384xf32> to vector<384xf32>
    %broadcast_in_dim3A_65 = vector.shape_cast %get3A_64 : vector<384xf32> to vector<1x1x384xf32>
    %mul3A_66 = vector.broadcast %broadcast_in_dim3A_65 : vector<1x1x384xf32> to vector<8x224x384xf32>
    %mul3A_67 = arith.mulf %slice3A_60, %mul3A_66 : vector<8x224x384xf32>
    %add3A_68 = arith.addf %add3A_59, %mul3A_67 : vector<8x224x384xf32>
    %slice3A_69 = vector.extract_strided_slice %get3A_36 {offsets = [4, 0, 0], sizes = [8, 224, 384], strides = [1, 1, 1]} : vector<12x224x384xf32> to vector<8x224x384xf32>
    %get3A_70 = arith.constant 20 : index
    %get3A_71 = arith.constant 0 : index
    %get3A_72 = vector.load %arg6[%get3A_70, %get3A_71] : memref<25x384xf32, #tpu.memory_space<vmem>>, vector<1x384xf32>
    %get3A_73 = vector.shape_cast %get3A_72 : vector<1x384xf32> to vector<384xf32>
    %broadcast_in_dim3A_74 = vector.shape_cast %get3A_73 : vector<384xf32> to vector<1x1x384xf32>
    %mul3A_75 = vector.broadcast %broadcast_in_dim3A_74 : vector<1x1x384xf32> to vector<8x224x384xf32>
    %mul3A_76 = arith.mulf %slice3A_69, %mul3A_75 : vector<8x224x384xf32>
    %add3A_77 = arith.addf %add3A_68, %mul3A_76 : vector<8x224x384xf32>
    %get3A_78 = arith.constant 0 : index
    %get3A_79 = arith.constant 1 : index
    %get3A_80 = arith.constant 0 : index
    %get3A_81 = vector.load %arg11[%get3A_78, %get3A_79, %get3A_80] : memref<12x228x384xf32, #tpu.memory_space<vmem>>, vector<12x224x384xf32>
    %slice3A_82 = vector.extract_strided_slice %get3A_81 {offsets = [0, 0, 0], sizes = [8, 224, 384], strides = [1, 1, 1]} : vector<12x224x384xf32> to vector<8x224x384xf32>
    %get3A_83 = arith.constant 1 : index
    %get3A_84 = arith.constant 0 : index
    %get3A_85 = vector.load %arg6[%get3A_83, %get3A_84] : memref<25x384xf32, #tpu.memory_space<vmem>>, vector<1x384xf32>
    %get3A_86 = vector.shape_cast %get3A_85 : vector<1x384xf32> to vector<384xf32>
    %broadcast_in_dim3A_87 = vector.shape_cast %get3A_86 : vector<384xf32> to vector<1x1x384xf32>
    %mul3A_88 = vector.broadcast %broadcast_in_dim3A_87 : vector<1x1x384xf32> to vector<8x224x384xf32>
    %mul3A_89 = arith.mulf %slice3A_82, %mul3A_88 : vector<8x224x384xf32>
    %slice3A_90 = vector.extract_strided_slice %get3A_81 {offsets = [1, 0, 0], sizes = [8, 224, 384], strides = [1, 1, 1]} : vector<12x224x384xf32> to vector<8x224x384xf32>
    %get3A_91 = arith.constant 6 : index
    %get3A_92 = arith.constant 0 : index
    %get3A_93 = vector.load %arg6[%get3A_91, %get3A_92] : memref<25x384xf32, #tpu.memory_space<vmem>>, vector<1x384xf32>
    %get3A_94 = vector.shape_cast %get3A_93 : vector<1x384xf32> to vector<384xf32>
    %broadcast_in_dim3A_95 = vector.shape_cast %get3A_94 : vector<384xf32> to vector<1x1x384xf32>
    %mul3A_96 = vector.broadcast %broadcast_in_dim3A_95 : vector<1x1x384xf32> to vector<8x224x384xf32>
    %mul3A_97 = arith.mulf %slice3A_90, %mul3A_96 : vector<8x224x384xf32>
    %add3A_98 = arith.addf %mul3A_89, %mul3A_97 : vector<8x224x384xf32>
    %slice3A_99 = vector.extract_strided_slice %get3A_81 {offsets = [2, 0, 0], sizes = [8, 224, 384], strides = [1, 1, 1]} : vector<12x224x384xf32> to vector<8x224x384xf32>
    %get3A_100 = arith.constant 11 : index
    %get3A_101 = arith.constant 0 : index
    %get3A_102 = vector.load %arg6[%get3A_100, %get3A_101] : memref<25x384xf32, #tpu.memory_space<vmem>>, vector<1x384xf32>
    %get3A_103 = vector.shape_cast %get3A_102 : vector<1x384xf32> to vector<384xf32>
    %broadcast_in_dim3A_104 = vector.shape_cast %get3A_103 : vector<384xf32> to vector<1x1x384xf32>
    %mul3A_105 = vector.broadcast %broadcast_in_dim3A_104 : vector<1x1x384xf32> to vector<8x224x384xf32>
    %mul3A_106 = arith.mulf %slice3A_99, %mul3A_105 : vector<8x224x384xf32>
    %add3A_107 = arith.addf %add3A_98, %mul3A_106 : vector<8x224x384xf32>
    %slice3A_108 = vector.extract_strided_slice %get3A_81 {offsets = [3, 0, 0], sizes = [8, 224, 384], strides = [1, 1, 1]} : vector<12x224x384xf32> to vector<8x224x384xf32>
    %get3A_109 = arith.constant 16 : index
    %get3A_110 = arith.constant 0 : index
    %get3A_111 = vector.load %arg6[%get3A_109, %get3A_110] : memref<25x384xf32, #tpu.memory_space<vmem>>, vector<1x384xf32>
    %get3A_112 = vector.shape_cast %get3A_111 : vector<1x384xf32> to vector<384xf32>
    %broadcast_in_dim3A_113 = vector.shape_cast %get3A_112 : vector<384xf32> to vector<1x1x384xf32>
    %mul3A_114 = vector.broadcast %broadcast_in_dim3A_113 : vector<1x1x384xf32> to vector<8x224x384xf32>
    %mul3A_115 = arith.mulf %slice3A_108, %mul3A_114 : vector<8x224x384xf32>
    %add3A_116 = arith.addf %add3A_107, %mul3A_115 : vector<8x224x384xf32>
    %slice3A_117 = vector.extract_strided_slice %get3A_81 {offsets = [4, 0, 0], sizes = [8, 224, 384], strides = [1, 1, 1]} : vector<12x224x384xf32> to vector<8x224x384xf32>
    %get3A_118 = arith.constant 21 : index
    %get3A_119 = arith.constant 0 : index
    %get3A_120 = vector.load %arg6[%get3A_118, %get3A_119] : memref<25x384xf32, #tpu.memory_space<vmem>>, vector<1x384xf32>
    %get3A_121 = vector.shape_cast %get3A_120 : vector<1x384xf32> to vector<384xf32>
    %broadcast_in_dim3A_122 = vector.shape_cast %get3A_121 : vector<384xf32> to vector<1x1x384xf32>
    %mul3A_123 = vector.broadcast %broadcast_in_dim3A_122 : vector<1x1x384xf32> to vector<8x224x384xf32>
    %mul3A_124 = arith.mulf %slice3A_117, %mul3A_123 : vector<8x224x384xf32>
    %add3A_125 = arith.addf %add3A_116, %mul3A_124 : vector<8x224x384xf32>
    %get3A_126 = arith.constant 0 : index
    %get3A_127 = arith.constant 2 : index
    %get3A_128 = arith.constant 0 : index
    %get3A_129 = vector.load %arg11[%get3A_126, %get3A_127, %get3A_128] : memref<12x228x384xf32, #tpu.memory_space<vmem>>, vector<12x224x384xf32>
    %slice3A_130 = vector.extract_strided_slice %get3A_129 {offsets = [0, 0, 0], sizes = [8, 224, 384], strides = [1, 1, 1]} : vector<12x224x384xf32> to vector<8x224x384xf32>
    %get3A_131 = arith.constant 2 : index
    %get3A_132 = arith.constant 0 : index
    %get3A_133 = vector.load %arg6[%get3A_131, %get3A_132] : memref<25x384xf32, #tpu.memory_space<vmem>>, vector<1x384xf32>
    %get3A_134 = vector.shape_cast %get3A_133 : vector<1x384xf32> to vector<384xf32>
    %broadcast_in_dim3A_135 = vector.shape_cast %get3A_134 : vector<384xf32> to vector<1x1x384xf32>
    %mul3A_136 = vector.broadcast %broadcast_in_dim3A_135 : vector<1x1x384xf32> to vector<8x224x384xf32>
    %mul3A_137 = arith.mulf %slice3A_130, %mul3A_136 : vector<8x224x384xf32>
    %slice3A_138 = vector.extract_strided_slice %get3A_129 {offsets = [1, 0, 0], sizes = [8, 224, 384], strides = [1, 1, 1]} : vector<12x224x384xf32> to vector<8x224x384xf32>
    %get3A_139 = arith.constant 7 : index
    %get3A_140 = arith.constant 0 : index
    %get3A_141 = vector.load %arg6[%get3A_139, %get3A_140] : memref<25x384xf32, #tpu.memory_space<vmem>>, vector<1x384xf32>
    %get3A_142 = vector.shape_cast %get3A_141 : vector<1x384xf32> to vector<384xf32>
    %broadcast_in_dim3A_143 = vector.shape_cast %get3A_142 : vector<384xf32> to vector<1x1x384xf32>
    %mul3A_144 = vector.broadcast %broadcast_in_dim3A_143 : vector<1x1x384xf32> to vector<8x224x384xf32>
    %mul3A_145 = arith.mulf %slice3A_138, %mul3A_144 : vector<8x224x384xf32>
    %add3A_146 = arith.addf %mul3A_137, %mul3A_145 : vector<8x224x384xf32>
    %slice3A_147 = vector.extract_strided_slice %get3A_129 {offsets = [2, 0, 0], sizes = [8, 224, 384], strides = [1, 1, 1]} : vector<12x224x384xf32> to vector<8x224x384xf32>
    %get3A_148 = arith.constant 12 : index
    %get3A_149 = arith.constant 0 : index
    %get3A_150 = vector.load %arg6[%get3A_148, %get3A_149] : memref<25x384xf32, #tpu.memory_space<vmem>>, vector<1x384xf32>
    %get3A_151 = vector.shape_cast %get3A_150 : vector<1x384xf32> to vector<384xf32>
    %broadcast_in_dim3A_152 = vector.shape_cast %get3A_151 : vector<384xf32> to vector<1x1x384xf32>
    %mul3A_153 = vector.broadcast %broadcast_in_dim3A_152 : vector<1x1x384xf32> to vector<8x224x384xf32>
    %mul3A_154 = arith.mulf %slice3A_147, %mul3A_153 : vector<8x224x384xf32>
    %add3A_155 = arith.addf %add3A_146, %mul3A_154 : vector<8x224x384xf32>
    %slice3A_156 = vector.extract_strided_slice %get3A_129 {offsets = [3, 0, 0], sizes = [8, 224, 384], strides = [1, 1, 1]} : vector<12x224x384xf32> to vector<8x224x384xf32>
    %get3A_157 = arith.constant 17 : index
    %get3A_158 = arith.constant 0 : index
    %get3A_159 = vector.load %arg6[%get3A_157, %get3A_158] : memref<25x384xf32, #tpu.memory_space<vmem>>, vector<1x384xf32>
    %get3A_160 = vector.shape_cast %get3A_159 : vector<1x384xf32> to vector<384xf32>
    %broadcast_in_dim3A_161 = vector.shape_cast %get3A_160 : vector<384xf32> to vector<1x1x384xf32>
    %mul3A_162 = vector.broadcast %broadcast_in_dim3A_161 : vector<1x1x384xf32> to vector<8x224x384xf32>
    %mul3A_163 = arith.mulf %slice3A_156, %mul3A_162 : vector<8x224x384xf32>
    %add3A_164 = arith.addf %add3A_155, %mul3A_163 : vector<8x224x384xf32>
    %slice3A_165 = vector.extract_strided_slice %get3A_129 {offsets = [4, 0, 0], sizes = [8, 224, 384], strides = [1, 1, 1]} : vector<12x224x384xf32> to vector<8x224x384xf32>
    %get3A_166 = arith.constant 22 : index
    %get3A_167 = arith.constant 0 : index
    %get3A_168 = vector.load %arg6[%get3A_166, %get3A_167] : memref<25x384xf32, #tpu.memory_space<vmem>>, vector<1x384xf32>
    %get3A_169 = vector.shape_cast %get3A_168 : vector<1x384xf32> to vector<384xf32>
    %broadcast_in_dim3A_170 = vector.shape_cast %get3A_169 : vector<384xf32> to vector<1x1x384xf32>
    %mul3A_171 = vector.broadcast %broadcast_in_dim3A_170 : vector<1x1x384xf32> to vector<8x224x384xf32>
    %mul3A_172 = arith.mulf %slice3A_165, %mul3A_171 : vector<8x224x384xf32>
    %add3A_173 = arith.addf %add3A_164, %mul3A_172 : vector<8x224x384xf32>
    %get3A_174 = arith.constant 0 : index
    %get3A_175 = arith.constant 3 : index
    %get3A_176 = arith.constant 0 : index
    %get3A_177 = vector.load %arg11[%get3A_174, %get3A_175, %get3A_176] : memref<12x228x384xf32, #tpu.memory_space<vmem>>, vector<12x224x384xf32>
    %slice3A_178 = vector.extract_strided_slice %get3A_177 {offsets = [0, 0, 0], sizes = [8, 224, 384], strides = [1, 1, 1]} : vector<12x224x384xf32> to vector<8x224x384xf32>
    %get3A_179 = arith.constant 3 : index
    %get3A_180 = arith.constant 0 : index
    %get3A_181 = vector.load %arg6[%get3A_179, %get3A_180] : memref<25x384xf32, #tpu.memory_space<vmem>>, vector<1x384xf32>
    %get3A_182 = vector.shape_cast %get3A_181 : vector<1x384xf32> to vector<384xf32>
    %broadcast_in_dim3A_183 = vector.shape_cast %get3A_182 : vector<384xf32> to vector<1x1x384xf32>
    %mul3A_184 = vector.broadcast %broadcast_in_dim3A_183 : vector<1x1x384xf32> to vector<8x224x384xf32>
    %mul3A_185 = arith.mulf %slice3A_178, %mul3A_184 : vector<8x224x384xf32>
    %slice3A_186 = vector.extract_strided_slice %get3A_177 {offsets = [1, 0, 0], sizes = [8, 224, 384], strides = [1, 1, 1]} : vector<12x224x384xf32> to vector<8x224x384xf32>
    %get3A_187 = arith.constant 8 : index
    %get3A_188 = arith.constant 0 : index
    %get3A_189 = vector.load %arg6[%get3A_187, %get3A_188] : memref<25x384xf32, #tpu.memory_space<vmem>>, vector<1x384xf32>
    %get3A_190 = vector.shape_cast %get3A_189 : vector<1x384xf32> to vector<384xf32>
    %broadcast_in_dim3A_191 = vector.shape_cast %get3A_190 : vector<384xf32> to vector<1x1x384xf32>
    %mul3A_192 = vector.broadcast %broadcast_in_dim3A_191 : vector<1x1x384xf32> to vector<8x224x384xf32>
    %mul3A_193 = arith.mulf %slice3A_186, %mul3A_192 : vector<8x224x384xf32>
    %add3A_194 = arith.addf %mul3A_185, %mul3A_193 : vector<8x224x384xf32>
    %slice3A_195 = vector.extract_strided_slice %get3A_177 {offsets = [2, 0, 0], sizes = [8, 224, 384], strides = [1, 1, 1]} : vector<12x224x384xf32> to vector<8x224x384xf32>
    %get3A_196 = arith.constant 13 : index
    %get3A_197 = arith.constant 0 : index
    %get3A_198 = vector.load %arg6[%get3A_196, %get3A_197] : memref<25x384xf32, #tpu.memory_space<vmem>>, vector<1x384xf32>
    %get3A_199 = vector.shape_cast %get3A_198 : vector<1x384xf32> to vector<384xf32>
    %broadcast_in_dim3A_200 = vector.shape_cast %get3A_199 : vector<384xf32> to vector<1x1x384xf32>
    %mul3A_201 = vector.broadcast %broadcast_in_dim3A_200 : vector<1x1x384xf32> to vector<8x224x384xf32>
    %mul3A_202 = arith.mulf %slice3A_195, %mul3A_201 : vector<8x224x384xf32>
    %add3A_203 = arith.addf %add3A_194, %mul3A_202 : vector<8x224x384xf32>
    %slice3A_204 = vector.extract_strided_slice %get3A_177 {offsets = [3, 0, 0], sizes = [8, 224, 384], strides = [1, 1, 1]} : vector<12x224x384xf32> to vector<8x224x384xf32>
    %get3A_205 = arith.constant 18 : index
    %get3A_206 = arith.constant 0 : index
    %get3A_207 = vector.load %arg6[%get3A_205, %get3A_206] : memref<25x384xf32, #tpu.memory_space<vmem>>, vector<1x384xf32>
    %get3A_208 = vector.shape_cast %get3A_207 : vector<1x384xf32> to vector<384xf32>
    %broadcast_in_dim3A_209 = vector.shape_cast %get3A_208 : vector<384xf32> to vector<1x1x384xf32>
    %mul3A_210 = vector.broadcast %broadcast_in_dim3A_209 : vector<1x1x384xf32> to vector<8x224x384xf32>
    %mul3A_211 = arith.mulf %slice3A_204, %mul3A_210 : vector<8x224x384xf32>
    %add3A_212 = arith.addf %add3A_203, %mul3A_211 : vector<8x224x384xf32>
    %slice3A_213 = vector.extract_strided_slice %get3A_177 {offsets = [4, 0, 0], sizes = [8, 224, 384], strides = [1, 1, 1]} : vector<12x224x384xf32> to vector<8x224x384xf32>
    %get3A_214 = arith.constant 23 : index
    %get3A_215 = arith.constant 0 : index
    %get3A_216 = vector.load %arg6[%get3A_214, %get3A_215] : memref<25x384xf32, #tpu.memory_space<vmem>>, vector<1x384xf32>
    %get3A_217 = vector.shape_cast %get3A_216 : vector<1x384xf32> to vector<384xf32>
    %broadcast_in_dim3A_218 = vector.shape_cast %get3A_217 : vector<384xf32> to vector<1x1x384xf32>
    %mul3A_219 = vector.broadcast %broadcast_in_dim3A_218 : vector<1x1x384xf32> to vector<8x224x384xf32>
    %mul3A_220 = arith.mulf %slice3A_213, %mul3A_219 : vector<8x224x384xf32>
    %add3A_221 = arith.addf %add3A_212, %mul3A_220 : vector<8x224x384xf32>
    %get3A_222 = arith.constant 0 : index
    %get3A_223 = arith.constant 4 : index
    %get3A_224 = arith.constant 0 : index
    %get3A_225 = vector.load %arg11[%get3A_222, %get3A_223, %get3A_224] : memref<12x228x384xf32, #tpu.memory_space<vmem>>, vector<12x224x384xf32>
    %slice3A_226 = vector.extract_strided_slice %get3A_225 {offsets = [0, 0, 0], sizes = [8, 224, 384], strides = [1, 1, 1]} : vector<12x224x384xf32> to vector<8x224x384xf32>
    %get3A_227 = arith.constant 4 : index
    %get3A_228 = arith.constant 0 : index
    %get3A_229 = vector.load %arg6[%get3A_227, %get3A_228] : memref<25x384xf32, #tpu.memory_space<vmem>>, vector<1x384xf32>
    %get3A_230 = vector.shape_cast %get3A_229 : vector<1x384xf32> to vector<384xf32>
    %broadcast_in_dim3A_231 = vector.shape_cast %get3A_230 : vector<384xf32> to vector<1x1x384xf32>
    %mul3A_232 = vector.broadcast %broadcast_in_dim3A_231 : vector<1x1x384xf32> to vector<8x224x384xf32>
    %mul3A_233 = arith.mulf %slice3A_226, %mul3A_232 : vector<8x224x384xf32>
    %slice3A_234 = vector.extract_strided_slice %get3A_225 {offsets = [1, 0, 0], sizes = [8, 224, 384], strides = [1, 1, 1]} : vector<12x224x384xf32> to vector<8x224x384xf32>
    %get3A_235 = arith.constant 9 : index
    %get3A_236 = arith.constant 0 : index
    %get3A_237 = vector.load %arg6[%get3A_235, %get3A_236] : memref<25x384xf32, #tpu.memory_space<vmem>>, vector<1x384xf32>
    %get3A_238 = vector.shape_cast %get3A_237 : vector<1x384xf32> to vector<384xf32>
    %broadcast_in_dim3A_239 = vector.shape_cast %get3A_238 : vector<384xf32> to vector<1x1x384xf32>
    %mul3A_240 = vector.broadcast %broadcast_in_dim3A_239 : vector<1x1x384xf32> to vector<8x224x384xf32>
    %mul3A_241 = arith.mulf %slice3A_234, %mul3A_240 : vector<8x224x384xf32>
    %add3A_242 = arith.addf %mul3A_233, %mul3A_241 : vector<8x224x384xf32>
    %slice3A_243 = vector.extract_strided_slice %get3A_225 {offsets = [2, 0, 0], sizes = [8, 224, 384], strides = [1, 1, 1]} : vector<12x224x384xf32> to vector<8x224x384xf32>
    %get3A_244 = arith.constant 14 : index
    %get3A_245 = arith.constant 0 : index
    %get3A_246 = vector.load %arg6[%get3A_244, %get3A_245] : memref<25x384xf32, #tpu.memory_space<vmem>>, vector<1x384xf32>
    %get3A_247 = vector.shape_cast %get3A_246 : vector<1x384xf32> to vector<384xf32>
    %broadcast_in_dim3A_248 = vector.shape_cast %get3A_247 : vector<384xf32> to vector<1x1x384xf32>
    %mul3A_249 = vector.broadcast %broadcast_in_dim3A_248 : vector<1x1x384xf32> to vector<8x224x384xf32>
    %mul3A_250 = arith.mulf %slice3A_243, %mul3A_249 : vector<8x224x384xf32>
    %add3A_251 = arith.addf %add3A_242, %mul3A_250 : vector<8x224x384xf32>
    %slice3A_252 = vector.extract_strided_slice %get3A_225 {offsets = [3, 0, 0], sizes = [8, 224, 384], strides = [1, 1, 1]} : vector<12x224x384xf32> to vector<8x224x384xf32>
    %get3A_253 = arith.constant 19 : index
    %get3A_254 = arith.constant 0 : index
    %get3A_255 = vector.load %arg6[%get3A_253, %get3A_254] : memref<25x384xf32, #tpu.memory_space<vmem>>, vector<1x384xf32>
    %get3A_256 = vector.shape_cast %get3A_255 : vector<1x384xf32> to vector<384xf32>
    %broadcast_in_dim3A_257 = vector.shape_cast %get3A_256 : vector<384xf32> to vector<1x1x384xf32>
    %mul3A_258 = vector.broadcast %broadcast_in_dim3A_257 : vector<1x1x384xf32> to vector<8x224x384xf32>
    %mul3A_259 = arith.mulf %slice3A_252, %mul3A_258 : vector<8x224x384xf32>
    %add3A_260 = arith.addf %add3A_251, %mul3A_259 : vector<8x224x384xf32>
    %slice3A_261 = vector.extract_strided_slice %get3A_225 {offsets = [4, 0, 0], sizes = [8, 224, 384], strides = [1, 1, 1]} : vector<12x224x384xf32> to vector<8x224x384xf32>
    %get3A_262 = arith.constant 24 : index
    %get3A_263 = arith.constant 0 : index
    %get3A_264 = vector.load %arg6[%get3A_262, %get3A_263] : memref<25x384xf32, #tpu.memory_space<vmem>>, vector<1x384xf32>
    %get3A_265 = vector.shape_cast %get3A_264 : vector<1x384xf32> to vector<384xf32>
    %broadcast_in_dim3A_266 = vector.shape_cast %get3A_265 : vector<384xf32> to vector<1x1x384xf32>
    %mul3A_267 = vector.broadcast %broadcast_in_dim3A_266 : vector<1x1x384xf32> to vector<8x224x384xf32>
    %mul3A_268 = arith.mulf %slice3A_261, %mul3A_267 : vector<8x224x384xf32>
    %add3A_269 = arith.addf %add3A_260, %mul3A_268 : vector<8x224x384xf32>
    %add3A_270 = arith.addf %add3A_77, %add3A_125 : vector<8x224x384xf32>
    %add3A_271 = arith.addf %add3A_173, %add3A_221 : vector<8x224x384xf32>
    %add3A_272 = arith.addf %add3A_270, %add3A_271 : vector<8x224x384xf32>
    %get3A_273 = arith.constant 0 : index
    %get3A_274 = arith.constant 0 : index
    %get3A_275 = vector.load %arg7[%get3A_273, %get3A_274] : memref<1x384xf32, #tpu.memory_space<vmem>>, vector<1x384xf32>
    %get3A_276 = vector.shape_cast %get3A_275 : vector<1x384xf32> to vector<384xf32>
    %broadcast_in_dim3A_277 = vector.shape_cast %get3A_276 : vector<384xf32> to vector<1x1x384xf32>
    %add3A_278 = vector.broadcast %broadcast_in_dim3A_277 : vector<1x1x384xf32> to vector<8x224x384xf32>
    %add3A_279 = arith.addf %add3A_269, %add3A_278 : vector<8x224x384xf32>
    %add3A_280 = arith.addf %add3A_272, %add3A_279 : vector<8x224x384xf32>
    %get3A_281 = arith.constant 0 : index
    %get3A_282 = arith.constant 0 : index
    %get3A_283 = arith.constant 0 : index
    %get3A_284 = vector.load %arg4[%get3A_281, %get3A_282, %get3A_283] : memref<8x224x384xbf16, #tpu.memory_space<vmem>>, vector<8x224x384xbf16>
    %convert_element_type3A_285 = arith.extf %get3A_284 : vector<8x224x384xbf16> to vector<8x224x384xf32>
    %add3A_286 = arith.addf %convert_element_type3A_285, %add3A_280 : vector<8x224x384xf32>
    %reshape3A = vector.shape_cast %add3A_286 : vector<8x224x384xf32> to vector<1792x384xf32>
    %get3A_287 = arith.constant 0 : index
    %get3A_288 = arith.constant 0 : index
    %get3A_289 = vector.load %arg8[%get3A_287, %get3A_288] : memref<384x384xf32, #tpu.memory_space<vmem>>, vector<384x384xf32>
    %dot_general3A = arith.constant dense<0.000000e+00> : vector<1792x384xf32>
    %dot_general3A_290 = tpu.matmul %reshape3A, %get3A_289, %dot_general3A {dimension_numbers = #tpu.dot_dimension_numbers<[1], [0], [0], [1], [0, 0, 1, 1], [], []>, transpose_lhs_hint = false} : vector<1792x384xf32>, vector<384x384xf32>, vector<1792x384xf32> -> vector<1792x384xf32>
    %get3A_291 = arith.constant 0 : index
    %get3A_292 = arith.constant 0 : index
    %get3A_293 = vector.load %arg9[%get3A_291, %get3A_292] : memref<1x384xf32, #tpu.memory_space<vmem>>, vector<1x384xf32>
    %get3A_294 = vector.shape_cast %get3A_293 : vector<1x384xf32> to vector<384xf32>
    %broadcast_in_dim3A_295 = vector.shape_cast %get3A_294 : vector<384xf32> to vector<1x384xf32>
    %add3A_296 = vector.broadcast %broadcast_in_dim3A_295 : vector<1x384xf32> to vector<1792x384xf32>
    %add3A_297 = arith.addf %dot_general3A_290, %add3A_296 : vector<1792x384xf32>
    %get3A_298 = arith.constant 0 : index
    %get3A_299 = arith.constant 0 : index
    %get3A_300 = arith.constant 0 : index
    %get3A_301 = vector.load %arg5[%get3A_298, %get3A_299, %get3A_300] : memref<8x224x384xf32, #tpu.memory_space<vmem>>, vector<8x224x384xf32>
    %reshape3A_302 = vector.shape_cast %get3A_301 : vector<8x224x384xf32> to vector<1792x384xf32>
    %add3A_303 = arith.addf %reshape3A_302, %add3A_297 : vector<1792x384xf32>
    %convert_element_type3A_304 = arith.truncf %add3A_303 : vector<1792x384xf32> to vector<1792x384xbf16>
    %reshape3A_305 = vector.shape_cast %convert_element_type3A_304 : vector<1792x384xbf16> to vector<8x224x384xbf16>
    %swap3A_306 = arith.constant 0 : index
    %swap3A_307 = arith.constant 0 : index
    %swap3A_308 = arith.constant 0 : index
    %swap3A_309 = vector.load %arg10[%swap3A_306, %swap3A_307, %swap3A_308] : memref<8x224x384xbf16, #tpu.memory_space<vmem>>, vector<8x224x384xbf16>
    tpu.vector_store %arg10[%swap3A_306, %swap3A_307, %swap3A_308], %reshape3A_305 {strides = array<i32>} : memref<8x224x384xbf16, #tpu.memory_space<vmem>>, vector<8x224x384xbf16>,
    return
  }
  func.func @transform_0(%arg0: i32) -> (i32, i32, i32) {
    %c0_i32 = arith.constant 0 : i32
    %c0_i32_0 = arith.constant 0 : i32
    %c0_i32_1 = arith.constant 0 : i32
    return %arg0, %c0_i32, %c0_i32_0 : i32, i32, i32
  }
  func.func @transform_1(%arg0: i32) -> (i32, i32, i32) {
    %sub3A = arith.constant 1 : i32
    %sub3A_0 = arith.subi %arg0, %sub3A : i32
    %max3A = arith.constant 0 : i32
    %max3A_1 = arith.maxsi %sub3A_0, %max3A : i32
    %c0_i32 = arith.constant 0 : i32
    %c0_i32_2 = arith.constant 0 : i32
    %c0_i32_3 = arith.constant 0 : i32
    return %max3A_1, %c0_i32, %c0_i32_2 : i32, i32, i32
  }
  func.func @transform_2(%arg0: i32) -> (i32, i32, i32) {
    %add3A = arith.constant 1 : i32
    %add3A_0 = arith.addi %arg0, %add3A : i32
    %min3A = arith.constant 27 : i32
    %min3A_1 = arith.minsi %add3A_0, %min3A : i32
    %c0_i32 = arith.constant 0 : i32
    %c0_i32_2 = arith.constant 0 : i32
    %c0_i32_3 = arith.constant 0 : i32
    return %min3A_1, %c0_i32, %c0_i32_2 : i32, i32, i32
  }
  func.func @transform_3(%arg0: i32) -> (i32, i32, i32) {
    %c0_i32 = arith.constant 0 : i32
    %c0_i32_0 = arith.constant 0 : i32
    %c0_i32_1 = arith.constant 0 : i32
    return %arg0, %c0_i32, %c0_i32_0 : i32, i32, i32
  }
  func.func @transform_4(%arg0: i32) -> (i32, i32, i32) {
    %c0_i32 = arith.constant 0 : i32
    %c0_i32_0 = arith.constant 0 : i32
    %c0_i32_1 = arith.constant 0 : i32
    return %arg0, %c0_i32, %c0_i32_0 : i32, i32, i32
  }
  func.func @transform_5(%arg0: i32) -> (i32, i32) {
    %c0_i32 = arith.constant 0 : i32
    %c0_i32_0 = arith.constant 0 : i32
    %c0_i32_1 = arith.constant 0 : i32
    return %c0_i32, %c0_i32_0 : i32, i32
  }
  func.func @transform_6(%arg0: i32) -> (i32, i32) {
    %c0_i32 = arith.constant 0 : i32
    %c0_i32_0 = arith.constant 0 : i32
    %c0_i32_1 = arith.constant 0 : i32
    return %c0_i32, %c0_i32_0 : i32, i32
  }
  func.func @transform_7(%arg0: i32) -> (i32, i32) {
    %c0_i32 = arith.constant 0 : i32
    %c0_i32_0 = arith.constant 0 : i32
    %c0_i32_1 = arith.constant 0 : i32
    return %c0_i32, %c0_i32_0 : i32, i32
  }
  func.func @transform_8(%arg0: i32) -> (i32, i32) {
    %c0_i32 = arith.constant 0 : i32
    %c0_i32_0 = arith.constant 0 : i32
    %c0_i32_1 = arith.constant 0 : i32
    return %c0_i32, %c0_i32_0 : i32, i32
  }
  func.func @transform_9(%arg0: i32) -> (i32, i32, i32) {
    %c0_i32 = arith.constant 0 : i32
    %c0_i32_0 = arith.constant 0 : i32
    %c0_i32_1 = arith.constant 0 : i32
    return %arg0, %c0_i32, %c0_i32_0 : i32, i32, i32
  }
}

module attributes {stable_mosaic.version = 14 : i64} {
  func.func @_mlp_body(%arg0: i32, %arg1: memref<4x224x384xbf16, #tpu.memory_space<vmem>>, %arg2: memref<1x384xf32, #tpu.memory_space<vmem>>, %arg3: memref<1x384xf32, #tpu.memory_space<vmem>>, %arg4: memref<384x1536xf32, #tpu.memory_space<vmem>>, %arg5: memref<1x1536xf32, #tpu.memory_space<vmem>>, %arg6: memref<1536x384xf32, #tpu.memory_space<vmem>>, %arg7: memref<1x384xf32, #tpu.memory_space<vmem>>, %arg8: memref<4x224x384xf32, #tpu.memory_space<vmem>>) attributes {dimension_semantics = [#tpu.dimension_semantics<arbitrary>], iteration_bounds = array<i64: 56>, scalar_prefetch = 0 : i64, scratch_operands = 0 : i64, tpu.core_type = #tpu.core_type<tc>, window_params = [{transform_indices = @transform_0, window_bounds = array<i64: 4, 224, 384>}, {pipeline_mode = #tpu.pipeline_mode<synchronous>, transform_indices = @transform_1, window_bounds = array<i64: 1, 384>}, {pipeline_mode = #tpu.pipeline_mode<synchronous>, transform_indices = @transform_2, window_bounds = array<i64: 1, 384>}, {pipeline_mode = #tpu.pipeline_mode<synchronous>, transform_indices = @transform_3, window_bounds = array<i64: 384, 1536>}, {pipeline_mode = #tpu.pipeline_mode<synchronous>, transform_indices = @transform_4, window_bounds = array<i64: 1, 1536>}, {pipeline_mode = #tpu.pipeline_mode<synchronous>, transform_indices = @transform_5, window_bounds = array<i64: 1536, 384>}, {pipeline_mode = #tpu.pipeline_mode<synchronous>, transform_indices = @transform_6, window_bounds = array<i64: 1, 384>}, {transform_indices = @transform_7, window_bounds = array<i64: 4, 224, 384>}]} {
    %get3A = arith.constant 0 : index
    %get3A_0 = arith.constant 0 : index
    %get3A_1 = arith.constant 0 : index
    %get3A_2 = vector.load %arg1[%get3A, %get3A_0, %get3A_1] : memref<4x224x384xbf16, #tpu.memory_space<vmem>>, vector<4x224x384xbf16>
    %convert_element_type3A = arith.extf %get3A_2 : vector<4x224x384xbf16> to vector<4x224x384xf32>
    %reshape3A = vector.shape_cast %convert_element_type3A : vector<4x224x384xf32> to vector<896x384xf32>
    %reduce_sum3A = arith.constant dense<0.000000e+00> : vector<896xf32>
    %reduce_sum3A_3 = vector.multi_reduction <add>, %reshape3A, %reduce_sum3A [1] : vector<896x384xf32> to vector<896xf32>
    %broadcast_in_dim3A = vector.shape_cast %reduce_sum3A_3 : vector<896xf32> to vector<896x1xf32>
    %div3A = arith.constant 3.840000e+02 : f32
    %div3A_4 = vector.broadcast %div3A : f32 to vector<896x1xf32>
    %div3A_5 = arith.divf %broadcast_in_dim3A, %div3A_4 : vector<896x1xf32>
    %sub3A = vector.broadcast %div3A_5 : vector<896x1xf32> to vector<896x384xf32>
    %sub3A_6 = arith.subf %reshape3A, %sub3A : vector<896x384xf32>
    %mul3A = arith.mulf %sub3A_6, %sub3A_6 : vector<896x384xf32>
    %reduce_sum3A_7 = arith.constant dense<0.000000e+00> : vector<896xf32>
    %reduce_sum3A_8 = vector.multi_reduction <add>, %mul3A, %reduce_sum3A_7 [1] : vector<896x384xf32> to vector<896xf32>
    %broadcast_in_dim3A_9 = vector.shape_cast %reduce_sum3A_8 : vector<896xf32> to vector<896x1xf32>
    %div3A_10 = arith.constant 3.840000e+02 : f32
    %div3A_11 = vector.broadcast %div3A_10 : f32 to vector<896x1xf32>
    %div3A_12 = arith.divf %broadcast_in_dim3A_9, %div3A_11 : vector<896x1xf32>
    %add3A = arith.constant 9.99999997E-7 : f32
    %add3A_13 = vector.broadcast %add3A : f32 to vector<896x1xf32>
    %add3A_14 = arith.addf %div3A_12, %add3A_13 : vector<896x1xf32>
    %rsqrt3A = math.rsqrt %add3A_14 : vector<896x1xf32>
    %mul3A_15 = vector.broadcast %rsqrt3A : vector<896x1xf32> to vector<896x384xf32>
    %mul3A_16 = arith.mulf %sub3A_6, %mul3A_15 : vector<896x384xf32>
    %get3A_17 = arith.constant 0 : index
    %get3A_18 = arith.constant 0 : index
    %get3A_19 = vector.load %arg2[%get3A_17, %get3A_18] : memref<1x384xf32, #tpu.memory_space<vmem>>, vector<1x384xf32>
    %get3A_20 = vector.shape_cast %get3A_19 : vector<1x384xf32> to vector<384xf32>
    %broadcast_in_dim3A_21 = vector.shape_cast %get3A_20 : vector<384xf32> to vector<1x384xf32>
    %mul3A_22 = vector.broadcast %broadcast_in_dim3A_21 : vector<1x384xf32> to vector<896x384xf32>
    %mul3A_23 = arith.mulf %mul3A_16, %mul3A_22 : vector<896x384xf32>
    %get3A_24 = arith.constant 0 : index
    %get3A_25 = arith.constant 0 : index
    %get3A_26 = vector.load %arg3[%get3A_24, %get3A_25] : memref<1x384xf32, #tpu.memory_space<vmem>>, vector<1x384xf32>
    %get3A_27 = vector.shape_cast %get3A_26 : vector<1x384xf32> to vector<384xf32>
    %broadcast_in_dim3A_28 = vector.shape_cast %get3A_27 : vector<384xf32> to vector<1x384xf32>
    %add3A_29 = vector.broadcast %broadcast_in_dim3A_28 : vector<1x384xf32> to vector<896x384xf32>
    %add3A_30 = arith.addf %mul3A_23, %add3A_29 : vector<896x384xf32>
    %get3A_31 = arith.constant 0 : index
    %get3A_32 = arith.constant 0 : index
    %get3A_33 = vector.load %arg4[%get3A_31, %get3A_32] : memref<384x1536xf32, #tpu.memory_space<vmem>>, vector<384x1536xf32>
    %dot_general3A = arith.constant dense<0.000000e+00> : vector<896x1536xf32>
    %dot_general3A_34 = tpu.matmul %add3A_30, %get3A_33, %dot_general3A {dimension_numbers = #tpu.dot_dimension_numbers<[1], [0], [0], [1], [0, 0, 1, 1], [], []>, transpose_lhs_hint = false} : vector<896x384xf32>, vector<384x1536xf32>, vector<896x1536xf32> -> vector<896x1536xf32>
    %get3A_35 = arith.constant 0 : index
    %get3A_36 = arith.constant 0 : index
    %get3A_37 = vector.load %arg5[%get3A_35, %get3A_36] : memref<1x1536xf32, #tpu.memory_space<vmem>>, vector<1x1536xf32>
    %get3A_38 = vector.shape_cast %get3A_37 : vector<1x1536xf32> to vector<1536xf32>
    %broadcast_in_dim3A_39 = vector.shape_cast %get3A_38 : vector<1536xf32> to vector<1x1536xf32>
    %add3A_40 = vector.broadcast %broadcast_in_dim3A_39 : vector<1x1536xf32> to vector<896x1536xf32>
    %add3A_41 = arith.addf %dot_general3A_34, %add3A_40 : vector<896x1536xf32>
    %mul3A_42 = arith.constant 5.000000e-01 : f32
    %mul3A_43 = vector.broadcast %mul3A_42 : f32 to vector<896x1536xf32>
    %mul3A_44 = arith.mulf %mul3A_43, %add3A_41 : vector<896x1536xf32>
    %mul3A_45 = arith.constant 0.707106769 : f32
    %mul3A_46 = vector.broadcast %mul3A_45 : f32 to vector<896x1536xf32>
    %mul3A_47 = arith.mulf %add3A_41, %mul3A_46 : vector<896x1536xf32>
    %erf3A = math.erf %mul3A_47 : vector<896x1536xf32>
    %add3A_48 = arith.constant 1.000000e+00 : f32
    %add3A_49 = vector.broadcast %add3A_48 : f32 to vector<896x1536xf32>
    %add3A_50 = arith.addf %add3A_49, %erf3A : vector<896x1536xf32>
    %mul3A_51 = arith.mulf %mul3A_44, %add3A_50 : vector<896x1536xf32>
    %get3A_52 = arith.constant 0 : index
    %get3A_53 = arith.constant 0 : index
    %get3A_54 = vector.load %arg6[%get3A_52, %get3A_53] : memref<1536x384xf32, #tpu.memory_space<vmem>>, vector<1536x384xf32>
    %dot_general3A_55 = arith.constant dense<0.000000e+00> : vector<896x384xf32>
    %dot_general3A_56 = tpu.matmul %mul3A_51, %get3A_54, %dot_general3A_55 {dimension_numbers = #tpu.dot_dimension_numbers<[1], [0], [0], [1], [0, 0, 1, 1], [], []>, transpose_lhs_hint = false} : vector<896x1536xf32>, vector<1536x384xf32>, vector<896x384xf32> -> vector<896x384xf32>
    %get3A_57 = arith.constant 0 : index
    %get3A_58 = arith.constant 0 : index
    %get3A_59 = vector.load %arg7[%get3A_57, %get3A_58] : memref<1x384xf32, #tpu.memory_space<vmem>>, vector<1x384xf32>
    %get3A_60 = vector.shape_cast %get3A_59 : vector<1x384xf32> to vector<384xf32>
    %broadcast_in_dim3A_61 = vector.shape_cast %get3A_60 : vector<384xf32> to vector<1x384xf32>
    %add3A_62 = vector.broadcast %broadcast_in_dim3A_61 : vector<1x384xf32> to vector<896x384xf32>
    %add3A_63 = arith.addf %dot_general3A_56, %add3A_62 : vector<896x384xf32>
    %add3A_64 = arith.addf %reshape3A, %add3A_63 : vector<896x384xf32>
    %reshape3A_65 = vector.shape_cast %add3A_64 : vector<896x384xf32> to vector<4x224x384xf32>
    %swap3A = arith.constant 0 : index
    %swap3A_66 = arith.constant 0 : index
    %swap3A_67 = arith.constant 0 : index
    %swap3A_68 = vector.load %arg8[%swap3A, %swap3A_66, %swap3A_67] : memref<4x224x384xf32, #tpu.memory_space<vmem>>, vector<4x224x384xf32>
    tpu.vector_store %arg8[%swap3A, %swap3A_66, %swap3A_67], %reshape3A_65 {strides = array<i32>} : memref<4x224x384xf32, #tpu.memory_space<vmem>>, vector<4x224x384xf32>,
    return
  }
  func.func @transform_0(%arg0: i32) -> (i32, i32, i32) {
    %c0_i32 = arith.constant 0 : i32
    %c0_i32_0 = arith.constant 0 : i32
    %c0_i32_1 = arith.constant 0 : i32
    return %arg0, %c0_i32, %c0_i32_0 : i32, i32, i32
  }
  func.func @transform_1(%arg0: i32) -> (i32, i32) {
    %c0_i32 = arith.constant 0 : i32
    %c0_i32_0 = arith.constant 0 : i32
    %c0_i32_1 = arith.constant 0 : i32
    return %c0_i32, %c0_i32_0 : i32, i32
  }
  func.func @transform_2(%arg0: i32) -> (i32, i32) {
    %c0_i32 = arith.constant 0 : i32
    %c0_i32_0 = arith.constant 0 : i32
    %c0_i32_1 = arith.constant 0 : i32
    return %c0_i32, %c0_i32_0 : i32, i32
  }
  func.func @transform_3(%arg0: i32) -> (i32, i32) {
    %c0_i32 = arith.constant 0 : i32
    %c0_i32_0 = arith.constant 0 : i32
    %c0_i32_1 = arith.constant 0 : i32
    return %c0_i32, %c0_i32_0 : i32, i32
  }
  func.func @transform_4(%arg0: i32) -> (i32, i32) {
    %c0_i32 = arith.constant 0 : i32
    %c0_i32_0 = arith.constant 0 : i32
    %c0_i32_1 = arith.constant 0 : i32
    return %c0_i32, %c0_i32_0 : i32, i32
  }
  func.func @transform_5(%arg0: i32) -> (i32, i32) {
    %c0_i32 = arith.constant 0 : i32
    %c0_i32_0 = arith.constant 0 : i32
    %c0_i32_1 = arith.constant 0 : i32
    return %c0_i32, %c0_i32_0 : i32, i32
  }
  func.func @transform_6(%arg0: i32) -> (i32, i32) {
    %c0_i32 = arith.constant 0 : i32
    %c0_i32_0 = arith.constant 0 : i32
    %c0_i32_1 = arith.constant 0 : i32
    return %c0_i32, %c0_i32_0 : i32, i32
  }
  func.func @transform_7(%arg0: i32) -> (i32, i32, i32) {
    %c0_i32 = arith.constant 0 : i32
    %c0_i32_0 = arith.constant 0 : i32
    %c0_i32_1 = arith.constant 0 : i32
    return %arg0, %c0_i32, %c0_i32_0 : i32, i32, i32
  }
}

</mosaic_0001>

<sc_bundles>
// kernel: kernel.8.cloned.1.call-start
scs
__scs_entry_jumppad:
0x0: {  	(pc) =	sbr.rel $0x88, $3  }
0x1: {  	(tag) =	ssettag $0x0;
	lr =	simm.s32 $0x1  }
0x2: {  	[smem:$0x3F92] =	sst lr;
	_ =	strace $0xD0000000  }
0x3: {  	_ = 	snop  }
0x4: {  	_ = 	snop  }
0x5: {  	_ = 	snop  }
0x6: {  	_ = 	snop  }
0x7: {  	_ = 	snop  }
__scs_overlays_trampoline_lowered:
0x8: {  	[smem:$0x3FA1] =	sst s0  }
0x9: {  	[smem:$0x3FA2] =	sst s1  }
0xa: {  	[smem:$0x3FA3] =	sst s2  }
0xb: {  	[smem:$0x3FA4] =	sst s3  }
0xc: {  	[smem:$0x3FA5] =	sst s4  }
0xd: {  	[smem:$0x3FA6] =	sst s5  }
0xe: {  	[smem:$0x3FA7] =	sst s6  }
0xf: {  	[smem:$0x3FA8] =	sst s7  }
0x10: {  	[smem:$0x3FA9] =	sst s8  }
0x11: {  	[smem:$0x3FAA] =	sst s9;
	s0 =	simm.s32 @!p0 $0x0  }
0x12: {  	s1 =	sld [smem:$0x3F90];
	s0 =	simm.s32 @p0 $0x1  }
0x13: {  	[smem:$0x3FAB] =	sst s0;
	s0 =	simm.s32 @!p1 $0x0  }
0x14: {  	s2 =	sld [smem:$0x3F8F];
	s0 =	simm.s32 @p1 $0x1  }
0x15: {  	[smem:$0x3FAC] =	sst s0;
	s0 =	simm.s32 @!p2 $0x0  }
0x16: {  	s3 =	sld [smem:$0x3FDB];
	s0 =	simm.s32 @p2 $0x1  }
0x17: {  	s4 =	simm.s32 $0x1BF5;
	[smem:$0x3FAE] =	sst s0  }
0x18: {  	s0 =	sld [smem:$0x3F91];
	_ =	swait.ge [sflag:s4], $0x0  }
0x19: {  	s7 =	sld [smem:$0x3F92]  }
0x1a: {  	s8 =	sadd.s32 $0xFFFFE003, lr  }
0x1b: {  	s9 =	sadd.s32 $0xFFFFFEF7, lr;
	s5 =	simm.s32 $0xFFFFFFFF;
	p2 =	slt.u32 s8, $0xFFFFF086  }
0x1c: {  	p1 =	slt.u32 s9, $0xF7A;
	s5 =	simm.s32 @!p2 $0x0  }
0x1d: {  	s5 =	simm.s32 @p1 $0x1;
	p0 =	seq.s32 s7, s2  }
0x1e: {  	s7 =	smul.u32 @!p0 $0xF7A, s2;
	p2 =	seq.s32 @!p0 s5, $0x0  }
0x1f: {  	s9 =	smul.u32 $0xF7A, s1;
	s8 =	simm.s32 @!p0 $0x1BF5;
	p2 =	por !p2, p0  }
0x20: {  	[sflag:s8] =	ssyncset.s32 @!p0 $0xFFFFF086;
	s6 =	sadd.s32 @!p0 s3, s7;
	s7 =	simm.s32 @!p0 $0x108  }
0x21: {  	s3 =	sadd.s32 s3, s9;
	s6 =	sadd.s32 @!p0 $0x88, s6;
	s7 =	simm.s32 @p2 $0x1082  }
0x22: {  	[simem:s7], [sflag:s8] =	dma.local @!p0 [hbm:s6], $0xF7A  }
0x23: {  	s9 =	sor.u32 $0xD0000000, s2;
	s6 =	simm.s32 $0x108;
	_ =	swait.ge @!p0 [sflag:s8], $0x0  }
0x24: {  	s3 =	sadd.s32 $0x88, s3;
	s6 =	simm.s32 @!p1 $0x1082;
	[sflag:s4] =	ssyncset.s32 $0xFFFFF086  }
0x25: {  	[simem:s6], [sflag:s4] =	dma.local [hbm:s3], $0xF7A  }
0x26: {  	[smem:$0x3F92] =	sst s1;
	(tag) =	ssettag s2;
	_ =	strace s9  }
0x27: {  	s1 =	sld [smem:$0x3FA2]  }
0x28: {  	s2 =	sld [smem:$0x3FA3]  }
0x29: {  	s4 =	sld [smem:$0x3FA5]  }
0x2a: {  	p0 =	seq.s32 s5, $0x0;
	s5 =	sld [smem:$0x3FA6]  }
0x2b: {  	s6 =	sld [smem:$0x3FA7]  }
0x2c: {  	s7 =	sld [smem:$0x3FA8]  }
0x2d: {  	s3 =	simm.s32 $0x108;
	s8 =	sld [smem:$0x3FA9]  }
0x2e: {  	s3 =	simm.s32 @!p0 $0x1082;
	s9 =	sld [smem:$0x3FAA]  }
0x2f: {  	lr =	sadd.s32 s0, s3;
	s0 =	sld [smem:$0x3FA1]  }
0x30: {  	s3 =	sld [smem:$0x3FA4]  }
0x31: {  	[smem:$0x3FAD] =	sst s10  }
0x32: {  	s10 =	sld [smem:$0x3FAB];
	_ =	sdelay $0x3  }
0x33: {  	p0 =	seq.s32 s10, $0x1;
	s10 =	sld [smem:$0x3FAD];
	_ =	sdelay $0x3  }
0x34: {  	[smem:$0x3FAD] =	sst s10  }
0x35: {  	s10 =	sld [smem:$0x3FAC];
	_ =	sdelay $0x3  }
0x36: {  	p1 =	seq.s32 s10, $0x1;
	s10 =	sld [smem:$0x3FAD];
	_ =	sdelay $0x3  }
0x37: {  	[smem:$0x3FAD] =	sst s10  }
0x38: {  	s10 =	sld [smem:$0x3FAE]  }
0x39: {  	_ = 	snop;
	(pc) =	sbr.ind lr, $3  }
0x3a: {  	_ = 	snop  }
0x3b: {  	_ = 	snop  }
0x3c: {  	p2 =	seq.s32 s10, $0x1;
	s10 =	sld [smem:$0x3FAD]  }
0x3d: {  	_ =	shalt  }
0x3e: {  	_ =	shalt  }
0x3f: {  	_ =	shalt  }
0x40: {  	_ =	shalt  }
0x41: {  	_ =	shalt  }
0x42: {  	_ =	shalt  }
0x43: {  	_ =	shalt  }
0x44: {  	_ =	shalt  }
0x45: {  	_ =	shalt  }
0x46: {  	_ =	shalt  }
0x47: {  	_ =	shalt  }
0x48: {  	_ =	shalt  }
0x49: {  	_ =	shalt  }
0x4a: {  	_ =	shalt  }
0x4b: {  	_ =	shalt  }
0x4c: {  	_ =	shalt  }
0x4d: {  	_ =	shalt  }
0x4e: {  	_ =	shalt  }
0x4f: {  	_ =	shalt  }
0x50: {  	_ =	shalt  }
0x51: {  	_ =	shalt  }
0x52: {  	_ =	shalt  }
0x53: {  	_ =	shalt  }
0x54: {  	_ =	shalt  }
0x55: {  	_ =	shalt  }
0x56: {  	_ =	shalt  }
0x57: {  	_ =	shalt  }
0x58: {  	_ =	shalt  }
0x59: {  	_ =	shalt  }
0x5a: {  	_ =	shalt  }
0x5b: {  	_ =	shalt  }
0x5c: {  	_ =	shalt  }
0x5d: {  	_ =	shalt  }
0x5e: {  	_ =	shalt  }
0x5f: {  	_ =	shalt  }
0x60: {  	_ =	shalt  }
0x61: {  	_ =	shalt  }
0x62: {  	_ =	shalt  }
0x63: {  	_ =	shalt  }
0x64: {  	_ =	shalt  }
0x65: {  	_ =	shalt  }
0x66: {  	_ =	shalt  }
0x67: {  	_ =	shalt  }
0x68: {  	_ =	shalt  }
0x69: {  	_ =	shalt  }
0x6a: {  	_ =	shalt  }
0x6b: {  	_ =	shalt  }
0x6c: {  	_ =	shalt  }
0x6d: {  	_ =	shalt  }
0x6e: {  	_ =	shalt  }
0x6f: {  	_ =	shalt  }
0x70: {  	_ =	shalt  }
0x71: {  	_ =	shalt  }
0x72: {  	_ =	shalt  }
0x73: {  	_ =	shalt  }
0x74: {  	_ =	shalt  }
0x75: {  	_ =	shalt  }
0x76: {  	_ =	shalt  }
0x77: {  	_ =	shalt  }
0x78: {  	_ =	shalt  }
0x79: {  	_ =	shalt  }
0x7a: {  	_ =	shalt  }
0x7b: {  	_ =	shalt  }
0x7c: {  	_ =	shalt  }
0x7d: {  	_ =	shalt  }
0x7e: {  	_ =	shalt  }
0x7f: {  	_ =	shalt  }
0x80: {  	_ =	shalt  }
0x81: {  	_ =	shalt  }
0x82: {  	_ =	shalt  }
0x83: {  	_ =	shalt  }
0x84: {  	_ =	shalt  }
0x85: {  	_ =	shalt  }
0x86: {  	_ =	shalt  }
0x87: {  	_ =	shalt  }
.Lfunc_end0:
.L_simem_size_0:
called_computation_lowered:
.L_overlay_start_0:
0x88: {  	s2 =	sld [smem:$0x3FD9]  }
0x89: {  	s3 =	sld [smem:$0x3FFE];
	_ =	sdelay $0x1  }
0x8a: {  	s1 =	srdreg.scid  }
0x8b: {  	s0 =	sand.u32 $0x1, s1  }
0x8c: {  	s16 =	sshll.u32 s0, $0xA;
	s2 =	sadd.s32 s3, s2  }
0x8d: {  	s2 =	sadd.s32 s2, s16  }
0x8e: {  	[smem:$0x3FB9] =	sst s2  }
0x8f: {  	_ = 	snop  }
0x90: {  	(tm) =	ssettm $0x1  }
0x91: {  	s17 =	sld [smem:$0x3FFB];
	_ =	sdelay $0x3  }
0x92: {  	_ =	strace s17  }
0x93: {  	s2 =	sld [smem:$0x3FFC];
	_ =	sdelay $0x3  }
0x94: {  	_ =	strace s2  }
0x95: {  	s2 =	sld [smem:$0x3FFD];
	_ =	sdelay $0x3  }
0x96: {  	_ =	strace s2  }
0x97: {  	_ =	strace $0x8FFFFFFF  }
0x98: {  	s18 =	sld [smem:$0x3FDB];
	_ =	sdelay $0x1  }
0x99: {  	s19 =	simm.s32 $_scs_section_size  }
0x9a: {  	s4 =	simm.s32 $_size__tile_overlayer_lowered;
	s5 =	simm.s32 $_tile_overlayer_lowered  }
0x9b: {  	s22 =	simm.s32 $0x1BFF;
	s21 =	sshll.u32 s5, $0x1;
	s2 =	sadd.s32 s19, s18  }
0x9c: {  	s6 =	simm.s32 $0x0;
	s20 =	sshll.u32 s4, $0x1;
	s4 =	sadd.s32 s21, s2  }
0x9d: {  	[timem:s6], [sflag:s22] =	dma.local [hbm:s4], s20  }
0x9e: {  	_ =	swait.ge [sflag:s22], s20  }
0x9f: {  	s3 =	ssub.s32 $0x0, s20;
	[sflag:s22] =	ssyncset.done $0x0  }
0xa0: {  	[sflag:s22] =	ssyncadd.s32 s3;
	_ =	sdelay $0x1  }
0xa1: {  	s23 =	simm.s32 $0x1B8B  }
0xa2: {  	_ =	swait.ge [sflag:s23], $0x1  }
0xa3: {  	[sflag:s23] =	ssyncset.done $0x0  }
0xa4: {  	s25 =	simm.s32 $0x1B8E;
	s24 =	sld [smem:$0x3FFE];
	[sflag:s23] =	ssyncadd.s32 $0xFFFFFFFF  }
0xa5: {  	s26 =	simm.s32 $execute0_lowered;
	[smem:$0x3FD2] =	sst s25  }
0xa6: {  	s4 =	sshll.u32 s26, $0x1;
	_ =	strace $0x80000046;
	[dreg:$0x1] =	wrdreg $0xFFFFFFFF  }
0xa7: {  	s28 =	simm.s32 $_size_execute0_lowered;
	s2 =	sadd.s32 s2, s4;
	[dreg:$0x0] =	wrdreg $0x0  }
0xa8: {  	s4 =	sshll.u32 s28, $0x1;
	[dreg:$0x2] =	wrdreg s2  }
0xa9: {  	[dreg:$0x3] =	wrdreg s4  }
0xaa: {  	[dreg:$0x4] =	wrdreg $0xC0  }
0xab: {  	_ =	task [dreg:s6], $0x5FFFF  }
0xac: {  	[dreg:$0x1] =	wrdreg $0xFFFFFFFF  }
0xad: {  	[dreg:$0x0] =	wrdreg $0x60  }
0xae: {  	[dreg:$0x2] =	wrdreg s24  }
0xaf: {  	[dreg:$0x3] =	wrdreg $0x9  }
0xb0: {  	_ =	task.clear_ibuf [dreg:s6], $0x4FFFF;
	_ =	strace $0x90000046  }
0xb1: {  	s29 =	simm.s32 $0x9;
	_ =	strace $0x80000048  }
0xb2: {  	_ =	swait.ge [sflag:s29], $0x1  }
0xb3: {  	[sflag:s29] =	ssyncadd.s32 $0xFFFFFFFF  }
0xb4: {  	_ =	strace $0x90000048  }
0xb5: {  	_ =	sfence  }
0xb6: {  	s30 =	sld [smem:$0x0];
	_ =	sdelay $0x2  }
0xb7: {  	s31 =	sshll.u32 s1, $0xD;
	s1 =	sshrl.u32 s1, $0x2  }
0xb8: {  	s3 =	sand.u32 $0x4000, s31;
	s1 =	sadd.s32 s1, s30  }
0xb9: {  	s0 =	sor.u32 s3, s0;
	s1 =	sshll.u32 s1, $0x11  }
0xba: {  	s0 =	sor.u32 s1, s0  }
0xbb: {  	s0 =	sadd.s32 $0x8F2B, s0  }
0xbc: {  	[sflag:s0] =	ssyncadd.remote.s32 $0x1  }
0xbd: {  	_ =	sfence.sel $0xFFFF  }
0xbe: {  	[dreg:$0x0] =	wrdreg $0xFFFFFFFF;
	(pc) =	sbr.abs _section_cstart, $3  }
0xbf: {  	[dreg:$0x1] =	wrdreg $0xFFFFFFFF  }
0xc0: {  	_ =	task.clear_ibuf [dreg:s6], $0x2FFFF;
	_ =	strace $0x9FFFFFFF  }
0xc1: {  	(tm) =	ssettm $0x7FFFFFFF  }
tec
execute0_lowered:
.L_overlay_start_1:
0x0: {  	(tag) =	ssettag $0x1  }
0x1: {  	s0 =	rddreg [dreg:$0x0];
	s2 =	simm.s32 $0x0  }
0x2: {  	[smem:$0x7FF] =	sst s2;
	s6 =	sadd.s32 $0x127800, s0  }
0x3: {  	s8 =	sadd.s32 $0x127900, s0;
	_ =	strace $0x80000047;
	[dreg:$0x2] =	wrdreg s6  }
0x4: {  	s9 =	sadd.s32 $0x127A00, s0;
	[dreg:$0x4] =	wrdreg s8  }
0x5: {  	s10 =	sadd.s32 $0x127B00, s0;
	[dreg:$0x5] =	wrdreg s9  }
0x6: {  	s11 =	sadd.s32 $0x127C00, s0;
	[dreg:$0x6] =	wrdreg s10  }
0x7: {  	s12 =	sadd.s32 $0x127D00, s0;
	[dreg:$0x7] =	wrdreg s11  }
0x8: {  	s13 =	sadd.s32 $0x127E00, s0;
	[dreg:$0x8] =	wrdreg s12  }
0x9: {  	s14 =	sadd.s32 $0x127F00, s0;
	[dreg:$0x9] =	wrdreg s13  }
0xa: {  	s15 =	sadd.s32 $0x128000, s0;
	[dreg:$0xa] =	wrdreg s14  }
0xb: {  	s16 =	sadd.s32 $0x128100, s0;
	[dreg:$0xb] =	wrdreg s15  }
0xc: {  	s17 =	sadd.s32 $0x128200, s0;
	[dreg:$0xc] =	wrdreg s16  }
0xd: {  	s18 =	sadd.s32 $0x128300, s0;
	[dreg:$0xd] =	wrdreg s17  }
0xe: {  	s19 =	sadd.s32 $0x128400, s0;
	[dreg:$0xe] =	wrdreg s18  }
0xf: {  	s20 =	sadd.s32 $0x128500, s0;
	[dreg:$0xf] =	wrdreg s19  }
0x10: {  	s22 =	sadd.s32 $0x128600, s0;
	[dreg:$0x10] =	wrdreg s20  }
0x11: {  	s23 =	sadd.s32 $0x128700, s0;
	[dreg:$0x11] =	wrdreg s22  }
0x12: {  	s24 =	sadd.s32 $0x128800, s0;
	[dreg:$0x12] =	wrdreg s23  }
0x13: {  	s25 =	sadd.s32 $0x128900, s0;
	[dreg:$0x13] =	wrdreg s24  }
0x14: {  	s26 =	sadd.s32 $0x128A00, s0;
	[dreg:$0x14] =	wrdreg s25  }
0x15: {  	s1 =	srdreg.scid;
	s28 =	sadd.s32 $0x128B00, s0;
	[dreg:$0x15] =	wrdreg s26  }
0x16: {  	s3 =	stileid.u32;
	s29 =	sadd.s32 $0x128C00, s0;
	[dreg:$0x16] =	wrdreg s28  }
0x17: {  	s21 =	sand.u32 $0x1, s1;
	s30 =	sadd.s32 $0x128D00, s0;
	[dreg:$0x17] =	wrdreg s29  }
0x18: {  	s5 =	sshll.u32 s3, $0x1;
	s3 =	simm.s32 $0x880;
	[dreg:$0x18] =	wrdreg s30  }
0x19: {  	s1 =	sor.u32 s21, s5;
	s5 =	sadd.s32 $0x128F00, s0;
	[smem:$0x7DA] =	sst s3  }
0x1a: {  	s6 =	sadd.s32 $0x129000, s0;
	[dreg:$0x1a] =	wrdreg s5  }
0x1b: {  	s8 =	sadd.s32 $0x129200, s0;
	[dreg:$0x1b] =	wrdreg s6  }
0x1c: {  	s9 =	sadd.s32 $0x129300, s0;
	[dreg:$0x1d] =	wrdreg s8  }
0x1d: {  	s10 =	sadd.s32 $0x129400, s0;
	[dreg:$0x1e] =	wrdreg s9  }
0x1e: {  	s11 =	sadd.s32 $0x129500, s0;
	[dreg:$0x1f] =	wrdreg s10  }
0x1f: {  	s12 =	sadd.s32 $0x129600, s0;
	[smem:$0x7EB] =	sst s11  }
0x20: {  	s13 =	sadd.s32 $0x129700, s0;
	[smem:$0x7EC] =	sst s12  }
0x21: {  	s14 =	sadd.s32 $0x129800, s0;
	[smem:$0x7ED] =	sst s13  }
0x22: {  	s15 =	sadd.s32 $0x129900, s0;
	[smem:$0x7EE] =	sst s14  }
0x23: {  	s16 =	sadd.s32 $0x129A00, s0;
	[smem:$0x7EF] =	sst s15  }
0x24: {  	s17 =	sadd.s32 $0x129B00, s0;
	[smem:$0x7F0] =	sst s16  }
0x25: {  	s18 =	sadd.s32 $0x129C00, s0;
	[smem:$0x7F1] =	sst s17  }
0x26: {  	s19 =	sadd.s32 $0x129D00, s0;
	[smem:$0x7F2] =	sst s18  }
0x27: {  	s20 =	sadd.s32 $0x129E00, s0;
	[smem:$0x7F3] =	sst s19  }
0x28: {  	s22 =	sadd.s32 $0x129F00, s0;
	[smem:$0x7F4] =	sst s20  }
0x29: {  	s23 =	sadd.s32 $0x12A000, s0;
	[smem:$0x7F5] =	sst s22  }
0x2a: {  	s24 =	sadd.s32 $0x12A100, s0;
	[smem:$0x7F6] =	sst s23  }
0x2b: {  	s25 =	sadd.s32 $0x12A200, s0;
	[smem:$0x7F7] =	sst s24  }
0x2c: {  	s26 =	sadd.s32 $0x12A300, s0;
	[smem:$0x7F8] =	sst s25  }
0x2d: {  	s28 =	sadd.s32 $0x12A400, s0;
	[smem:$0x7F9] =	sst s26  }
0x2e: {  	s29 =	sadd.s32 $0x12A500, s0;
	[smem:$0x7FA] =	sst s28  }
0x2f: {  	s30 =	sadd.s32 $0x12A600, s0;
	[smem:$0x7FB] =	sst s29  }
0x30: {  	[smem:$0x7FC] =	sst s30;
	s5 =	simm.s32 $0x1880  }
0x31: {  	s6 =	simm.s32 $0x2080;
	[smem:$0x7DC] =	sst s5  }
0x32: {  	s8 =	simm.s32 $0x3080;
	[smem:$0x7DD] =	sst s6  }
0x33: {  	s9 =	simm.s32 $0x3880;
	[smem:$0x7DF] =	sst s8  }
0x34: {  	s10 =	simm.s32 $0x4080;
	[smem:$0x7E0] =	sst s9  }
0x35: {  	s11 =	simm.s32 $0x4880;
	[smem:$0x7E1] =	sst s10  }
0x36: {  	s12 =	simm.s32 $0x5080;
	[smem:$0x7E2] =	sst s11  }
0x37: {  	s13 =	simm.s32 $0x5880;
	[smem:$0x7E3] =	sst s12  }
0x38: {  	s14 =	simm.s32 $0x6080;
	[smem:$0x7E4] =	sst s13  }
0x39: {  	s15 =	simm.s32 $0x6880;
	[smem:$0x7E5] =	sst s14  }
0x3a: {  	s16 =	simm.s32 $0x7080;
	[smem:$0x7E6] =	sst s15  }
0x3b: {  	s17 =	simm.s32 $0x7880;
	[smem:$0x7E7] =	sst s16  }
0x3c: {  	s18 =	simm.s32 $0x8080;
	[smem:$0x7E8] =	sst s17  }
0x3d: {  	s19 =	simm.s32 $0x8880;
	[smem:$0x7E9] =	sst s18  }
0x3e: {  	s20 =	simm.s32 $0x9080;
	[smem:$0x7EA] =	sst s19  }
0x3f: {  	s22 =	simm.s32 $0x9880;
	[smem:$0x7D9] =	sst s20  }
0x40: {  	s23 =	simm.s32 $0xA080;
	[smem:$0x7D8] =	sst s22  }
0x41: {  	s24 =	simm.s32 $0xA880;
	[smem:$0x7D7] =	sst s23  }
0x42: {  	s4 =	sadd.s32 s1, s0;
	s26 =	simm.s32 $0xB080;
	[smem:$0x7D6] =	sst s24  }
0x43: {  	s7 =	sadd.s32 $0x13C800, s4;
	[smem:$0x7D5] =	sst s26  }
0x44: {  	s1 =	smul.u32 $0x3000, s1;
	s4 =	sadd.s32 $0x128E00, s0;
	[dreg:$0x3] =	wrdreg s7  }
0x45: {  	[dreg:$0x19] =	wrdreg s4;
	s7 =	sadd.s32 $0x129100, s0  }
0x46: {  	s1 =	sadd.s32 s1, s0;
	s0 =	sadd.s32 $0x12A700, s0;
	[dreg:$0x1c] =	wrdreg s7  }
0x47: {  	s4 =	simm.s32 $0x1080;
	[smem:$0x7FD] =	sst s0  }
0x48: {  	[smem:$0x7DB] =	sst s4  }
0x49: {  	s1 =	sadd.s32 $0x13CA00, s1;
	s25 =	rddreg [dreg:$0x3]  }
0x4a: {  	s7 =	simm.s32 $0x2880;
	[smem:$0x7D4] =	sst s1  }
0x4b: {  	s3 =	simm.s32 $0x2;
	[smem:$0x7DE] =	sst s7  }
0x4c: {  	[tilespmem:s2], [sflag:$0x2] =	stream.linear.gather [hbm4b:s25+s2], $0x8, $0x38;
	[tilespmem:$0x18080] =	vst v63  }
0x4d: {  	_ =	swait.ge [sflag:s3], $0x8  }
0x4e: {  	s0 =	sld [smem:$0x7D5]  }
0x4f: {  	s1 =	sld [smem:$0x7D6]  }
0x50: {  	s5 =	sld [smem:$0x7D7]  }
0x51: {  	s6 =	sld [smem:$0x7D8]  }
0x52: {  	s7 =	sld [smem:$0x7D9]  }
0x53: {  	s8 =	rddreg [dreg:$0x5]  }
0x54: {  	[sflag:s3] =	ssyncset.done $0x0;
	s9 =	rddreg [dreg:$0x4]  }
0x55: {  	s10 =	sld [smem:$0x7DA];
	[sflag:s3] =	ssyncadd.s32 $0xFFFFFFF8  }
0x56: {  	s11 =	rddreg [dreg:$0x2];
	v0 =	vld.msk [tilespmem:$0x0], $0xff  }
0x57: {  	s12 =	sld [smem:$0x7DB]  }
0x58: {  	s13 =	sld [smem:$0x7DC]  }
0x59: {  	s14 =	sld [smem:$0x7DD]  }
0x5a: {  	s15 =	sld [smem:$0x7DE]  }
0x5b: {  	s16 =	sld [smem:$0x7DF];
	v1 =	vshrl.u32 v0, $0x3  }
0x5c: {  	s17 =	sld [smem:$0x7E0];
	v1 =	vmul.u32 $0x300, v1  }
0x5d: {  	v2 =	vlaneseq.u32;
	s18 =	sld [smem:$0x7E1];
	v3 =	vand.u32 $0x7, v0  }
0x5e: {  	s19 =	sld [smem:$0x7E2];
	v0 =	vand.u32 $0x7, v2;
	v2 =	vshrl.u32 v2, $0x3;
	v3 =	vor.u32 v3, v1  }
0x5f: {  	s20 =	sld [smem:$0x7E3];
	v1 =	vmul.u32 $0x8, v2;
	v2 =	vperm.xlane v3, v0  }
0x60: {  	s22 =	sld [smem:$0x7E4]  }
0x61: {  	s23 =	sld [smem:$0x7E5];
	v2 =	vadd.s32 v1, v2  }
0x62: {  	s28 =	rddreg [dreg:$0x6]  }
0x63: {  	s29 =	rddreg [dreg:$0x7]  }
0x64: {  	s30 =	rddreg [dreg:$0x8]  }
0x65: {  	vm0 =	vmmov $0xffff;
	s4 =	simm.s32 $0x80;
	s24 =	rddreg [dreg:$0x9]  }
0x66: {  	[tilespmem:s4], [sflag:$0x1] =	stream.indirect_vreg.gather [hbm4b:s11+s2], $0x80, v2, vm0, $0xb8;
	[tilespmem:$0x18080] =	vst v63  }
0x67: {  	s25 =	rddreg [dreg:$0xa]  }
0x68: {  	[tilespmem:s10], [sflag:$0x1] =	stream.indirect_vreg.gather [hbm4b:s9+s2], $0x80, v2, vm0, $0xb8;
	[tilespmem:$0x18080] =	vst v63  }
0x69: {  	s26 =	rddreg [dreg:$0xb]  }
0x6a: {  	[tilespmem:s12], [sflag:$0x1] =	stream.indirect_vreg.gather [hbm4b:s8+s2], $0x80, v2, vm0, $0xb8;
	[tilespmem:$0x18080] =	vst v63  }
0x6b: {  	s11 =	sld [smem:$0x7E6]  }
0x6c: {  	[tilespmem:s13], [sflag:$0x1] =	stream.indirect_vreg.gather [hbm4b:s28+s2], $0x80, v2, vm0, $0xb8;
	[tilespmem:$0x18080] =	vst v63  }
0x6d: {  	s9 =	sld [smem:$0x7E7]  }
0x6e: {  	[tilespmem:s14], [sflag:$0x1] =	stream.indirect_vreg.gather [hbm4b:s29+s2], $0x80, v2, vm0, $0xb8;
	[tilespmem:$0x18080] =	vst v63  }
0x6f: {  	s10 =	sld [smem:$0x7E9]  }
0x70: {  	[tilespmem:s15], [sflag:$0x1] =	stream.indirect_vreg.gather [hbm4b:s30+s2], $0x80, v2, vm0, $0xb8;
	[tilespmem:$0x18080] =	vst v63  }
0x71: {  	s8 =	sld [smem:$0x7E8]  }
0x72: {  	[tilespmem:s16], [sflag:$0x1] =	stream.indirect_vreg.gather [hbm4b:s24+s2], $0x80, v2, vm0, $0xb8;
	[tilespmem:$0x18080] =	vst v63  }
0x73: {  	s12 =	sld [smem:$0x7EA]  }
0x74: {  	[tilespmem:s17], [sflag:$0x1] =	stream.indirect_vreg.gather [hbm4b:s25+s2], $0x80, v2, vm0, $0xb8;
	[tilespmem:$0x18080] =	vst v63  }
0x75: {  	s28 =	rddreg [dreg:$0xc]  }
0x76: {  	[tilespmem:s18], [sflag:$0x1] =	stream.indirect_vreg.gather [hbm4b:s26+s2], $0x80, v2, vm0, $0xb8;
	[tilespmem:$0x18080] =	vst v63  }
0x77: {  	s29 =	rddreg [dreg:$0xd]  }
0x78: {  	[tilespmem:s19], [sflag:$0x1] =	stream.indirect_vreg.gather [hbm4b:s28+s2], $0x80, v2, vm0, $0xb8;
	[tilespmem:$0x18080] =	vst v63  }
0x79: {  	s14 =	sld [smem:$0x7EB]  }
0x7a: {  	[tilespmem:s20], [sflag:$0x1] =	stream.indirect_vreg.gather [hbm4b:s29+s2], $0x80, v2, vm0, $0xb8;
	[tilespmem:$0x18080] =	vst v63  }
0x7b: {  	s30 =	rddreg [dreg:$0xe]  }
0x7c: {  	[tilespmem:s22], [sflag:$0x1] =	stream.indirect_vreg.gather [hbm4b:s30+s2], $0x80, v2, vm0, $0xb8;
	[tilespmem:$0x18080] =	vst v63  }
0x7d: {  	s15 =	rddreg [dreg:$0xf]  }
0x7e: {  	[tilespmem:s23], [sflag:$0x1] =	stream.indirect_vreg.gather [hbm4b:s15+s2], $0x80, v2, vm0, $0xb8;
	[tilespmem:$0x18080] =	vst v63  }
0x7f: {  	s16 =	rddreg [dreg:$0x10]  }
0x80: {  	[tilespmem:s11], [sflag:$0x1] =	stream.indirect_vreg.gather [hbm4b:s16+s2], $0x80, v2, vm0, $0xb8;
	[tilespmem:$0x18080] =	vst v63  }
0x81: {  	s17 =	rddreg [dreg:$0x11]  }
0x82: {  	[tilespmem:s9], [sflag:$0x1] =	stream.indirect_vreg.gather [hbm4b:s17+s2], $0x80, v2, vm0, $0xb8;
	[tilespmem:$0x18080] =	vst v63  }
0x83: {  	s18 =	rddreg [dreg:$0x12]  }
0x84: {  	[tilespmem:s8], [sflag:$0x1] =	stream.indirect_vreg.gather [hbm4b:s18+s2], $0x80, v2, vm0, $0xb8;
	[tilespmem:$0x18080] =	vst v63  }
0x85: {  	s19 =	rddreg [dreg:$0x13]  }
0x86: {  	[tilespmem:s10], [sflag:$0x1] =	stream.indirect_vreg.gather [hbm4b:s19+s2], $0x80, v2, vm0, $0xb8;
	[tilespmem:$0x18080] =	vst v63  }
0x87: {  	s20 =	rddreg [dreg:$0x14]  }
0x88: {  	[tilespmem:s12], [sflag:$0x1] =	stream.indirect_vreg.gather [hbm4b:s20+s2], $0x80, v2, vm0, $0xb8;
	[tilespmem:$0x18080] =	vst v63  }
0x89: {  	s22 =	rddreg [dreg:$0x15]  }
0x8a: {  	[tilespmem:s7], [sflag:$0x1] =	stream.indirect_vreg.gather [hbm4b:s22+s2], $0x80, v2, vm0, $0xb8;
	[tilespmem:$0x18080] =	vst v63  }
0x8b: {  	s23 =	rddreg [dreg:$0x16]  }
0x8c: {  	[tilespmem:s6], [sflag:$0x1] =	stream.indirect_vreg.gather [hbm4b:s23+s2], $0x80, v2, vm0, $0xb8;
	[tilespmem:$0x18080] =	vst v63  }
0x8d: {  	s24 =	rddreg [dreg:$0x17]  }
0x8e: {  	[tilespmem:s5], [sflag:$0x1] =	stream.indirect_vreg.gather [hbm4b:s24+s2], $0x80, v2, vm0, $0xb8;
	[tilespmem:$0x18080] =	vst v63  }
0x8f: {  	s25 =	rddreg [dreg:$0x18]  }
0x90: {  	[tilespmem:s1], [sflag:$0x1] =	stream.indirect_vreg.gather [hbm4b:s25+s2], $0x80, v2, vm0, $0xb8;
	[tilespmem:$0x18080] =	vst v63  }
0x91: {  	s26 =	rddreg [dreg:$0x19]  }
0x92: {  	[tilespmem:s0], [sflag:$0x1] =	stream.indirect_vreg.gather [hbm4b:s26+s2], $0x80, v2, vm0, $0xb8;
	[tilespmem:$0x18080] =	vst v63  }
0x93: {  	s28 =	rddreg [dreg:$0x1a];
	s29 =	simm.s32 $0xB880  }
0x94: {  	[tilespmem:s29], [sflag:$0x1] =	stream.indirect_vreg.gather [hbm4b:s28+s2], $0x80, v2, vm0, $0xb8;
	[tilespmem:$0x18080] =	vst v63  }
0x95: {  	s30 =	rddreg [dreg:$0x1b];
	s1 =	simm.s32 $0xC080  }
0x96: {  	[tilespmem:s1], [sflag:$0x1] =	stream.indirect_vreg.gather [hbm4b:s30+s2], $0x80, v2, vm0, $0xb8;
	[tilespmem:$0x18080] =	vst v63  }
0x97: {  	s7 =	simm.s32 $0xC880;
	s6 =	rddreg [dreg:$0x1c]  }
0x98: {  	[tilespmem:s7], [sflag:$0x1] =	stream.indirect_vreg.gather [hbm4b:s6+s2], $0x80, v2, vm0, $0xb8;
	[tilespmem:$0x18080] =	vst v63  }
0x99: {  	s9 =	simm.s32 $0xD080;
	s8 =	rddreg [dreg:$0x1d]  }
0x9a: {  	[tilespmem:s9], [sflag:$0x1] =	stream.indirect_vreg.gather [hbm4b:s8+s2], $0x80, v2, vm0, $0xb8;
	[tilespmem:$0x18080] =	vst v63  }
0x9b: {  	s11 =	simm.s32 $0xD880;
	s10 =	rddreg [dreg:$0x1e]  }
0x9c: {  	[tilespmem:s11], [sflag:$0x1] =	stream.indirect_vreg.gather [hbm4b:s10+s2], $0x80, v2, vm0, $0xb8;
	[tilespmem:$0x18080] =	vst v63  }
0x9d: {  	s13 =	simm.s32 $0xE080;
	s12 =	rddreg [dreg:$0x1f]  }
0x9e: {  	[tilespmem:s13], [sflag:$0x1] =	stream.indirect_vreg.gather [hbm4b:s12+s2], $0x80, v2, vm0, $0xb8;
	[tilespmem:$0x18080] =	vst v63  }
0x9f: {  	s15 =	simm.s32 $0xE880;
	s16 =	sld [smem:$0x7EC]  }
0xa0: {  	[tilespmem:s15], [sflag:$0x1] =	stream.indirect_vreg.gather [hbm4b:s14+s2], $0x80, v2, vm0, $0xb8;
	[tilespmem:$0x18080] =	vst v63  }
0xa1: {  	s17 =	simm.s32 $0xF080;
	s18 =	sld [smem:$0x7ED]  }
0xa2: {  	[tilespmem:s17], [sflag:$0x1] =	stream.indirect_vreg.gather [hbm4b:s16+s2], $0x80, v2, vm0, $0xb8;
	[tilespmem:$0x18080] =	vst v63  }
0xa3: {  	s19 =	simm.s32 $0xF880;
	s20 =	sld [smem:$0x7EE]  }
0xa4: {  	[tilespmem:s19], [sflag:$0x1] =	stream.indirect_vreg.gather [hbm4b:s18+s2], $0x80, v2, vm0, $0xb8;
	[tilespmem:$0x18080] =	vst v63  }
0xa5: {  	s22 =	simm.s32 $0x10080;
	s23 =	sld [smem:$0x7EF]  }
0xa6: {  	[tilespmem:s22], [sflag:$0x1] =	stream.indirect_vreg.gather [hbm4b:s20+s2], $0x80, v2, vm0, $0xb8;
	[tilespmem:$0x18080] =	vst v63  }
0xa7: {  	s24 =	simm.s32 $0x10880;
	s25 =	sld [smem:$0x7F0]  }
0xa8: {  	[tilespmem:s24], [sflag:$0x1] =	stream.indirect_vreg.gather [hbm4b:s23+s2], $0x80, v2, vm0, $0xb8;
	[tilespmem:$0x18080] =	vst v63  }
0xa9: {  	s26 =	simm.s32 $0x11080;
	s28 =	sld [smem:$0x7F1]  }
0xaa: {  	[tilespmem:s26], [sflag:$0x1] =	stream.indirect_vreg.gather [hbm4b:s25+s2], $0x80, v2, vm0, $0xb8;
	[tilespmem:$0x18080] =	vst v63  }
0xab: {  	s29 =	simm.s32 $0x11880;
	s30 =	sld [smem:$0x7F2]  }
0xac: {  	[tilespmem:s29], [sflag:$0x1] =	stream.indirect_vreg.gather [hbm4b:s28+s2], $0x80, v2, vm0, $0xb8;
	[tilespmem:$0x18080] =	vst v63  }
0xad: {  	s1 =	simm.s32 $0x12080;
	s6 =	sld [smem:$0x7F3]  }
0xae: {  	[tilespmem:s1], [sflag:$0x1] =	stream.indirect_vreg.gather [hbm4b:s30+s2], $0x80, v2, vm0, $0xb8;
	[tilespmem:$0x18080] =	vst v63  }
0xaf: {  	s7 =	simm.s32 $0x12880;
	s8 =	sld [smem:$0x7F4]  }
0xb0: {  	[tilespmem:s7], [sflag:$0x1] =	stream.indirect_vreg.gather [hbm4b:s6+s2], $0x80, v2, vm0, $0xb8;
	[tilespmem:$0x18080] =	vst v63  }
0xb1: {  	s9 =	simm.s32 $0x13080;
	s10 =	sld [smem:$0x7F5]  }
0xb2: {  	[tilespmem:s9], [sflag:$0x1] =	stream.indirect_vreg.gather [hbm4b:s8+s2], $0x80, v2, vm0, $0xb8;
	[tilespmem:$0x18080] =	vst v63  }
0xb3: {  	s11 =	simm.s32 $0x13880;
	s12 =	sld [smem:$0x7F6]  }
0xb4: {  	[tilespmem:s11], [sflag:$0x1] =	stream.indirect_vreg.gather [hbm4b:s10+s2], $0x80, v2, vm0, $0xb8;
	[tilespmem:$0x18080] =	vst v63  }
0xb5: {  	s13 =	simm.s32 $0x14080;
	s14 =	sld [smem:$0x7F7]  }
0xb6: {  	[tilespmem:s13], [sflag:$0x1] =	stream.indirect_vreg.gather [hbm4b:s12+s2], $0x80, v2, vm0, $0xb8;
	[tilespmem:$0x18080] =	vst v63  }
0xb7: {  	s15 =	simm.s32 $0x14880;
	s16 =	sld [smem:$0x7F8];
	s28 =	ssub.s32 $0x2, s21  }
0xb8: {  	[tilespmem:s15], [sflag:$0x1] =	stream.indirect_vreg.gather [hbm4b:s14+s2], $0x80, v2, vm0, $0xb8;
	[tilespmem:$0x18080] =	vst v63  }
0xb9: {  	s17 =	simm.s32 $0x15080;
	s18 =	sld [smem:$0x7F9];
	s30 =	sshrl.u32 s28, $0x1  }
0xba: {  	[tilespmem:s17], [sflag:$0x1] =	stream.indirect_vreg.gather [hbm4b:s16+s2], $0x80, v2, vm0, $0xb8;
	[tilespmem:$0x18080] =	vst v63  }
0xbb: {  	s19 =	simm.s32 $0x15880;
	s20 =	sld [smem:$0x7FA];
	s0 =	ssub.s32 s28, s30  }
0xbc: {  	[tilespmem:s19], [sflag:$0x1] =	stream.indirect_vreg.gather [hbm4b:s18+s2], $0x80, v2, vm0, $0xb8;
	[tilespmem:$0x18080] =	vst v63  }
0xbd: {  	s22 =	simm.s32 $0x16080;
	s23 =	sld [smem:$0x7FB];
	s0 =	smax.u32 s0, $0x1  }
0xbe: {  	[tilespmem:s22], [sflag:$0x1] =	stream.indirect_vreg.gather [hbm4b:s20+s2], $0x80, v2, vm0, $0xb8;
	[tilespmem:$0x18080] =	vst v63  }
0xbf: {  	s24 =	simm.s32 $0x16880;
	s25 =	sld [smem:$0x7FC];
	p0 =	sne.s32 s0, $0x1  }
0xc0: {  	[tilespmem:s24], [sflag:$0x1] =	stream.indirect_vreg.gather [hbm4b:s23+s2], $0x80, v2, vm0, $0xb8;
	[tilespmem:$0x18080] =	vst v63  }
.Ltmp0:
0xc1: {  	_ = 	snop;
	(pc) =	sbr.rel @!p0 .LBB2_2-.Ltmp0, $4  }
0xc2: {  	s26 =	simm.s32 $0x17080;
	s29 =	sld [smem:$0x7FD]  }
0xc3: {  	[tilespmem:s26], [sflag:$0x1] =	stream.indirect_vreg.gather [hbm4b:s25+s2], $0x80, v2, vm0, $0xb8;
	[tilespmem:$0x18080] =	vst v63  }
0xc4: {  	s31 =	simm.s32 $0x1;
	s21 =	simm.s32 $0x17880;
	s0 =	sadd.s32 $0xFFFFFFFF, s0  }
0xc5: {  	[tilespmem:s21], [sflag:$0x1] =	stream.indirect_vreg.gather [hbm4b:s29+s2], $0x80, v2, vm0, $0xb8;
	[tilespmem:$0x18080] =	vst v63  }
.LBB2_1:
0xc6: {  	_ =	swait.ge [sflag:s31], $0x18000  }
0xc7: {  	s1 =	sld [smem:$0x7D4]  }
0xc8: {  	[sflag:s31] =	ssyncset.done $0x0  }
0xc9: {  	[sflag:s31] =	ssyncadd.s32 $0xFFFE8000  }
0xca: {  	[hbm4b:s1+s2] =	stream.linear.scatter [tilespmem:s4], [sflag:$0x2], $0x18000, $0x38;
	[tilespmem:$0x18080] =	vst v63  }
0xcb: {  	_ =	swait.ge [sflag:s3], $0x18000  }
0xcc: {  	[sflag:s3] =	ssyncset.done $0x0  }
0xcd: {  	s14 =	rddreg [dreg:$0x3];
	[sflag:s3] =	ssyncadd.s32 $0xFFFE8000  }
0xce: {  	[tilespmem:s2], [sflag:$0x2] =	stream.linear.gather [hbm4b:s14+s2], $0x8, $0x38;
	[tilespmem:$0x18080] =	vst v63  }
0xcf: {  	_ =	swait.ge [sflag:s3], $0x8  }
0xd0: {  	s1 =	rddreg [dreg:$0x1a]  }
0xd1: {  	s5 =	sld [smem:$0x7D5]  }
0xd2: {  	s6 =	sld [smem:$0x7D6]  }
0xd3: {  	s7 =	sld [smem:$0x7D7]  }
0xd4: {  	s8 =	sld [smem:$0x7D8]  }
0xd5: {  	s9 =	sld [smem:$0x7D9]  }
0xd6: {  	[sflag:s3] =	ssyncset.done $0x0;
	s13 =	rddreg [dreg:$0x5]  }
0xd7: {  	s14 =	rddreg [dreg:$0x4];
	[sflag:s3] =	ssyncadd.s32 $0xFFFFFFF8  }
0xd8: {  	s15 =	sld [smem:$0x7DA];
	v2 =	vld.msk [tilespmem:$0x0], $0xff  }
0xd9: {  	s11 =	rddreg [dreg:$0x2]  }
0xda: {  	s16 =	sld [smem:$0x7DB]  }
0xdb: {  	s17 =	sld [smem:$0x7DC]  }
0xdc: {  	s18 =	sld [smem:$0x7DD]  }
0xdd: {  	s19 =	sld [smem:$0x7DE];
	v3 =	vshrl.u32 v2, $0x3  }
0xde: {  	s20 =	sld [smem:$0x7DF];
	v3 =	vmul.u32 $0x300, v3  }
0xdf: {  	s22 =	sld [smem:$0x7E0];
	v2 =	vand.u32 $0x7, v2  }
0xe0: {  	s23 =	sld [smem:$0x7E1];
	v2 =	vor.u32 v2, v3  }
0xe1: {  	s24 =	sld [smem:$0x7E2];
	v2 =	vperm.xlane v2, v0  }
0xe2: {  	s25 =	sld [smem:$0x7E3]  }
0xe3: {  	s26 =	sld [smem:$0x7E4];
	v2 =	vadd.s32 v1, v2  }
0xe4: {  	s28 =	sld [smem:$0x7E5]  }
0xe5: {  	s29 =	sld [smem:$0x7E6]  }
0xe6: {  	s30 =	sld [smem:$0x7E7]  }
0xe7: {  	s12 =	sld [smem:$0x7E8]  }
0xe8: {  	[tilespmem:s4], [sflag:$0x1] =	stream.indirect_vreg.gather [hbm4b:s11+s2], $0x80, v2, vm0, $0xb8;
	[tilespmem:$0x18080] =	vst v63  }
0xe9: {  	s10 =	sld [smem:$0x7E9]  }
0xea: {  	[tilespmem:s15], [sflag:$0x1] =	stream.indirect_vreg.gather [hbm4b:s14+s2], $0x80, v2, vm0, $0xb8;
	[tilespmem:$0x18080] =	vst v63  }
0xeb: {  	s11 =	sld [smem:$0x7EA]  }
0xec: {  	[tilespmem:s16], [sflag:$0x1] =	stream.indirect_vreg.gather [hbm4b:s13+s2], $0x80, v2, vm0, $0xb8;
	[tilespmem:$0x18080] =	vst v63  }
0xed: {  	s15 =	rddreg [dreg:$0x6]  }
0xee: {  	[tilespmem:s17], [sflag:$0x1] =	stream.indirect_vreg.gather [hbm4b:s15+s2], $0x80, v2, vm0, $0xb8;
	[tilespmem:$0x18080] =	vst v63  }
0xef: {  	s16 =	rddreg [dreg:$0x7]  }
0xf0: {  	[tilespmem:s18], [sflag:$0x1] =	stream.indirect_vreg.gather [hbm4b:s16+s2], $0x80, v2, vm0, $0xb8;
	[tilespmem:$0x18080] =	vst v63  }
0xf1: {  	s17 =	rddreg [dreg:$0x8]  }
0xf2: {  	[tilespmem:s19], [sflag:$0x1] =	stream.indirect_vreg.gather [hbm4b:s17+s2], $0x80, v2, vm0, $0xb8;
	[tilespmem:$0x18080] =	vst v63  }
0xf3: {  	s18 =	rddreg [dreg:$0x9]  }
0xf4: {  	[tilespmem:s20], [sflag:$0x1] =	stream.indirect_vreg.gather [hbm4b:s18+s2], $0x80, v2, vm0, $0xb8;
	[tilespmem:$0x18080] =	vst v63  }
0xf5: {  	s19 =	rddreg [dreg:$0xa]  }
0xf6: {  	[tilespmem:s22], [sflag:$0x1] =	stream.indirect_vreg.gather [hbm4b:s19+s2], $0x80, v2, vm0, $0xb8;
	[tilespmem:$0x18080] =	vst v63  }
0xf7: {  	s20 =	rddreg [dreg:$0xb]  }
0xf8: {  	[tilespmem:s23], [sflag:$0x1] =	stream.indirect_vreg.gather [hbm4b:s20+s2], $0x80, v2, vm0, $0xb8;
	[tilespmem:$0x18080] =	vst v63  }
0xf9: {  	s22 =	rddreg [dreg:$0xc]  }
0xfa: {  	[tilespmem:s24], [sflag:$0x1] =	stream.indirect_vreg.gather [hbm4b:s22+s2], $0x80, v2, vm0, $0xb8;
	[tilespmem:$0x18080] =	vst v63  }
0xfb: {  	s23 =	rddreg [dreg:$0xd]  }
0xfc: {  	[tilespmem:s25], [sflag:$0x1] =	stream.indirect_vreg.gather [hbm4b:s23+s2], $0x80, v2, vm0, $0xb8;
	[tilespmem:$0x18080] =	vst v63  }
0xfd: {  	s24 =	rddreg [dreg:$0xe]  }
0xfe: {  	[tilespmem:s26], [sflag:$0x1] =	stream.indirect_vreg.gather [hbm4b:s24+s2], $0x80, v2, vm0, $0xb8;
	[tilespmem:$0x18080] =	vst v63  }
0xff: {  	s25 =	rddreg [dreg:$0xf]  }
0x100: {  	[tilespmem:s28], [sflag:$0x1] =	stream.indirect_vreg.gather [hbm4b:s25+s2], $0x80, v2, vm0, $0xb8;
	[tilespmem:$0x18080] =	vst v63  }
0x101: {  	s26 =	rddreg [dreg:$0x10]  }
0x102: {  	[tilespmem:s29], [sflag:$0x1] =	stream.indirect_vreg.gather [hbm4b:s26+s2], $0x80, v2, vm0, $0xb8;
	[tilespmem:$0x18080] =	vst v63  }
0x103: {  	s28 =	rddreg [dreg:$0x11]  }
0x104: {  	[tilespmem:s30], [sflag:$0x1] =	stream.indirect_vreg.gather [hbm4b:s28+s2], $0x80, v2, vm0, $0xb8;
	[tilespmem:$0x18080] =	vst v63  }
0x105: {  	s15 =	rddreg [dreg:$0x12]  }
0x106: {  	[tilespmem:s12], [sflag:$0x1] =	stream.indirect_vreg.gather [hbm4b:s15+s2], $0x80, v2, vm0, $0xb8;
	[tilespmem:$0x18080] =	vst v63  }
0x107: {  	s16 =	rddreg [dreg:$0x13]  }
0x108: {  	[tilespmem:s10], [sflag:$0x1] =	stream.indirect_vreg.gather [hbm4b:s16+s2], $0x80, v2, vm0, $0xb8;
	[tilespmem:$0x18080] =	vst v63  }
0x109: {  	s17 =	rddreg [dreg:$0x14]  }
0x10a: {  	[tilespmem:s11], [sflag:$0x1] =	stream.indirect_vreg.gather [hbm4b:s17+s2], $0x80, v2, vm0, $0xb8;
	[tilespmem:$0x18080] =	vst v63  }
0x10b: {  	s18 =	rddreg [dreg:$0x15]  }
0x10c: {  	[tilespmem:s9], [sflag:$0x1] =	stream.indirect_vreg.gather [hbm4b:s18+s2], $0x80, v2, vm0, $0xb8;
	[tilespmem:$0x18080] =	vst v63  }
0x10d: {  	s19 =	rddreg [dreg:$0x16]  }
0x10e: {  	[tilespmem:s8], [sflag:$0x1] =	stream.indirect_vreg.gather [hbm4b:s19+s2], $0x80, v2, vm0, $0xb8;
	[tilespmem:$0x18080] =	vst v63  }
0x10f: {  	s20 =	rddreg [dreg:$0x17]  }
0x110: {  	[tilespmem:s7], [sflag:$0x1] =	stream.indirect_vreg.gather [hbm4b:s20+s2], $0x80, v2, vm0, $0xb8;
	[tilespmem:$0x18080] =	vst v63  }
0x111: {  	s22 =	rddreg [dreg:$0x18]  }
0x112: {  	[tilespmem:s6], [sflag:$0x1] =	stream.indirect_vreg.gather [hbm4b:s22+s2], $0x80, v2, vm0, $0xb8;
	[tilespmem:$0x18080] =	vst v63  }
0x113: {  	s23 =	rddreg [dreg:$0x19]  }
0x114: {  	[tilespmem:s5], [sflag:$0x1] =	stream.indirect_vreg.gather [hbm4b:s23+s2], $0x80, v2, vm0, $0xb8;
	[tilespmem:$0x18080] =	vst v63  }
0x115: {  	s24 =	rddreg [dreg:$0x1b];
	s26 =	simm.s32 $0xB880  }
0x116: {  	[tilespmem:s26], [sflag:$0x1] =	stream.indirect_vreg.gather [hbm4b:s1+s2], $0x80, v2, vm0, $0xb8;
	[tilespmem:$0x18080] =	vst v63  }
0x117: {  	s25 =	rddreg [dreg:$0x1c];
	s29 =	simm.s32 $0xC080  }
0x118: {  	[tilespmem:s29], [sflag:$0x1] =	stream.indirect_vreg.gather [hbm4b:s24+s2], $0x80, v2, vm0, $0xb8;
	[tilespmem:$0x18080] =	vst v63  }
0x119: {  	s28 =	rddreg [dreg:$0x1d];
	s8 =	simm.s32 $0xC880  }
0x11a: {  	[tilespmem:s8], [sflag:$0x1] =	stream.indirect_vreg.gather [hbm4b:s25+s2], $0x80, v2, vm0, $0xb8;
	[tilespmem:$0x18080] =	vst v63  }
0x11b: {  	s30 =	rddreg [dreg:$0x1e];
	s10 =	simm.s32 $0xD080  }
0x11c: {  	[tilespmem:s10], [sflag:$0x1] =	stream.indirect_vreg.gather [hbm4b:s28+s2], $0x80, v2, vm0, $0xb8;
	[tilespmem:$0x18080] =	vst v63  }
0x11d: {  	s12 =	simm.s32 $0xD880;
	s11 =	sld [smem:$0x7EB]  }
0x11e: {  	[tilespmem:s12], [sflag:$0x1] =	stream.indirect_vreg.gather [hbm4b:s30+s2], $0x80, v2, vm0, $0xb8;
	[tilespmem:$0x18080] =	vst v63  }
0x11f: {  	s14 =	simm.s32 $0xE080;
	s9 =	rddreg [dreg:$0x1f]  }
0x120: {  	[tilespmem:s14], [sflag:$0x1] =	stream.indirect_vreg.gather [hbm4b:s9+s2], $0x80, v2, vm0, $0xb8;
	[tilespmem:$0x18080] =	vst v63  }
0x121: {  	s13 =	sld [smem:$0x7EC];
	s16 =	simm.s32 $0xE880  }
0x122: {  	[tilespmem:s16], [sflag:$0x1] =	stream.indirect_vreg.gather [hbm4b:s11+s2], $0x80, v2, vm0, $0xb8;
	[tilespmem:$0x18080] =	vst v63  }
0x123: {  	s15 =	sld [smem:$0x7ED];
	s18 =	simm.s32 $0xF080  }
0x124: {  	[tilespmem:s18], [sflag:$0x1] =	stream.indirect_vreg.gather [hbm4b:s13+s2], $0x80, v2, vm0, $0xb8;
	[tilespmem:$0x18080] =	vst v63  }
0x125: {  	s17 =	sld [smem:$0x7EE];
	s20 =	simm.s32 $0xF880  }
0x126: {  	[tilespmem:s20], [sflag:$0x1] =	stream.indirect_vreg.gather [hbm4b:s15+s2], $0x80, v2, vm0, $0xb8;
	[tilespmem:$0x18080] =	vst v63  }
0x127: {  	s19 =	sld [smem:$0x7EF];
	s23 =	simm.s32 $0x10080  }
0x128: {  	[tilespmem:s23], [sflag:$0x1] =	stream.indirect_vreg.gather [hbm4b:s17+s2], $0x80, v2, vm0, $0xb8;
	[tilespmem:$0x18080] =	vst v63  }
0x129: {  	s22 =	sld [smem:$0x7F0];
	s25 =	simm.s32 $0x10880  }
0x12a: {  	[tilespmem:s25], [sflag:$0x1] =	stream.indirect_vreg.gather [hbm4b:s19+s2], $0x80, v2, vm0, $0xb8;
	[tilespmem:$0x18080] =	vst v63  }
0x12b: {  	s24 =	sld [smem:$0x7F1];
	s28 =	simm.s32 $0x11080  }
0x12c: {  	[tilespmem:s28], [sflag:$0x1] =	stream.indirect_vreg.gather [hbm4b:s22+s2], $0x80, v2, vm0, $0xb8;
	[tilespmem:$0x18080] =	vst v63  }
0x12d: {  	s26 =	sld [smem:$0x7F2];
	s30 =	simm.s32 $0x11880  }
0x12e: {  	[tilespmem:s30], [sflag:$0x1] =	stream.indirect_vreg.gather [hbm4b:s24+s2], $0x80, v2, vm0, $0xb8;
	[tilespmem:$0x18080] =	vst v63  }
0x12f: {  	s29 =	sld [smem:$0x7F3];
	s9 =	simm.s32 $0x12080  }
0x130: {  	[tilespmem:s9], [sflag:$0x1] =	stream.indirect_vreg.gather [hbm4b:s26+s2], $0x80, v2, vm0, $0xb8;
	[tilespmem:$0x18080] =	vst v63  }
0x131: {  	s8 =	sld [smem:$0x7F4];
	s11 =	simm.s32 $0x12880  }
0x132: {  	[tilespmem:s11], [sflag:$0x1] =	stream.indirect_vreg.gather [hbm4b:s29+s2], $0x80, v2, vm0, $0xb8;
	[tilespmem:$0x18080] =	vst v63  }
0x133: {  	s10 =	sld [smem:$0x7F5];
	s13 =	simm.s32 $0x13080  }
0x134: {  	[tilespmem:s13], [sflag:$0x1] =	stream.indirect_vreg.gather [hbm4b:s8+s2], $0x80, v2, vm0, $0xb8;
	[tilespmem:$0x18080] =	vst v63  }
0x135: {  	s12 =	sld [smem:$0x7F6];
	s15 =	simm.s32 $0x13880  }
0x136: {  	[tilespmem:s15], [sflag:$0x1] =	stream.indirect_vreg.gather [hbm4b:s10+s2], $0x80, v2, vm0, $0xb8;
	[tilespmem:$0x18080] =	vst v63  }
0x137: {  	s14 =	sld [smem:$0x7F7];
	s17 =	simm.s32 $0x14080  }
0x138: {  	[tilespmem:s17], [sflag:$0x1] =	stream.indirect_vreg.gather [hbm4b:s12+s2], $0x80, v2, vm0, $0xb8;
	[tilespmem:$0x18080] =	vst v63  }
0x139: {  	s16 =	sld [smem:$0x7F8];
	s19 =	simm.s32 $0x14880  }
0x13a: {  	[tilespmem:s19], [sflag:$0x1] =	stream.indirect_vreg.gather [hbm4b:s14+s2], $0x80, v2, vm0, $0xb8;
	[tilespmem:$0x18080] =	vst v63  }
0x13b: {  	s18 =	sld [smem:$0x7F9];
	s22 =	simm.s32 $0x15080  }
0x13c: {  	[tilespmem:s22], [sflag:$0x1] =	stream.indirect_vreg.gather [hbm4b:s16+s2], $0x80, v2, vm0, $0xb8;
	[tilespmem:$0x18080] =	vst v63  }
0x13d: {  	s20 =	sld [smem:$0x7FA];
	s24 =	simm.s32 $0x15880  }
0x13e: {  	[tilespmem:s24], [sflag:$0x1] =	stream.indirect_vreg.gather [hbm4b:s18+s2], $0x80, v2, vm0, $0xb8;
	[tilespmem:$0x18080] =	vst v63  }
0x13f: {  	s23 =	sld [smem:$0x7FB];
	s26 =	simm.s32 $0x16080  }
0x140: {  	[tilespmem:s26], [sflag:$0x1] =	stream.indirect_vreg.gather [hbm4b:s20+s2], $0x80, v2, vm0, $0xb8;
	[tilespmem:$0x18080] =	vst v63  }
0x141: {  	p0 =	sne.s32 s0, $0x1;
	s25 =	sld [smem:$0x7FC];
	s29 =	simm.s32 $0x16880  }
0x142: {  	[tilespmem:s29], [sflag:$0x1] =	stream.indirect_vreg.gather [hbm4b:s23+s2], $0x80, v2, vm0, $0xb8;
	[tilespmem:$0x18080] =	vst v63  }
.Ltmp1:
0x143: {  	_ = 	snop;
	(pc) =	sbr.rel @p0 .LBB2_1-.Ltmp1, $4  }
0x144: {  	s28 =	sld [smem:$0x7FD];
	s30 =	simm.s32 $0x17080  }
0x145: {  	[tilespmem:s30], [sflag:$0x1] =	stream.indirect_vreg.gather [hbm4b:s25+s2], $0x80, v2, vm0, $0xb8;
	[tilespmem:$0x18080] =	vst v63  }
0x146: {  	s0 =	sadd.s32 $0xFFFFFFFF, s0  }
0x147: {  	[tilespmem:s21], [sflag:$0x1] =	stream.indirect_vreg.gather [hbm4b:s28+s2], $0x80, v2, vm0, $0xb8;
	[tilespmem:$0x18080] =	vst v63  }
.LBB2_2:
0x148: {  	_ =	swait.ge [sflag:s31], $0x18000  }
0x149: {  	s0 =	sld [smem:$0x7D4]  }
0x14a: {  	[sflag:s31] =	ssyncset.done $0x0  }
0x14b: {  	[sflag:s31] =	ssyncadd.s32 $0xFFFE8000  }
0x14c: {  	[hbm4b:s0+s2] =	stream.linear.scatter [tilespmem:s4], [sflag:$0x2], $0x18000, $0x38;
	[tilespmem:$0x18080] =	vst v63  }
0x14d: {  	_ =	swait.ge [sflag:s3], $0x18000  }
0x14e: {  	[sflag:s3] =	ssyncset.done $0x0  }
0x14f: {  	[sflag:s3] =	ssyncadd.s32 $0xFFFE8000  }
0x150: {  	_ =	sfence.sel $0x180000  }
0x151: {  	[bflag:$0x0] =	sbarrier.arrive $0xFFFF  }
0x152: {  	_ =	strace $0x90000047  }
0x153: {  	s31 =	stileid.u32;
	[bflag:$0x2] =	sbarrier.arrive $0xFFFF  }
0x154: {  	p0 =	sne.s32 s31, $0x0;
	s0 =	rddreg [dreg:$0x1]  }
0x155: {  	s0 =	sadd.s32 @!p0 $0x100000, s0  }
0x156: {  	[sflag:s0] =	ssyncadd.tile.s32 @!p0 $0x1;
	_ =	shalt  }
.Lfunc_end2:
_tile_overlayer_lowered:
.L_overlay_start_2:
0x157: {  	(tag) =	ssettag $0x2  }
0x158: {  	s0 =	rddreg [dreg:$0x0];
	s2 =	stileid.u32  }
0x159: {  	s1 =	rddreg [dreg:$0x1];
	p0 =	sne.s32 s2, $0x0  }
0x15a: {  	s3 =	rddreg [dreg:$0x2];
	[bflag:$0x3] =	sbarrier.arrive $0xFFFF;
	s2 =	simm.s32 @!p0 $0x1C02  }
0x15b: {  	[timem:s3], [sflag:s2] =	dma.local @!p0 [hbm:s0], s1  }
0x15c: {  	s0 =	simm.s32 @!p0 $0x2  }
0x15d: {  	_ =	swait.ge @!p0 [sflag:s0], s1  }
0x15e: {  	s1 =	ssub.s32 @!p0 $0x0, s1;
	[sflag:s0] =	ssyncset.done @!p0 $0x0  }
0x15f: {  	[sflag:s0] =	ssyncadd.s32 @!p0 s1  }
0x160: {  	[bflag:$0x3] =	sbarrier.arrive $0xFFFF  }
0x161: {  	_ =	shalt  }

</sc_bundles>
